<compile_context>
chip_gen: v7x
topology: tpu7x:2x2x1
jax: 0.10.2.dev20260603
libtpu: 0.0.44.dev20260713+nightly
codegen_flags: <defaults>
</compile_context>

<pallas_src>
import jax
import jax.numpy as jnp
from jax import lax
from jax.experimental import pallas as pl
from jax.experimental.pallas import tpu as pltpu
from jax.experimental.pallas import tpu_sc as plsc

B, N, D, C = 16, 2048, 512, 128
NC, NS, L = 2, 16, 16
NW = NC * NS
DC = D // NW
CH = N // 2

LN2 = 0.6931471805599453
LOG2PI = 1.8378770664093453

_R0 = 0.0008254628229340533
_R1 = 1.415653190432736
_R2 = -0.5687040530057521
_R3 = 0.15270028479752185

_C0 = 2.443438720245439e-06
_C1 = 1.4424535262105997
_C2 = -0.7173127802648079
_C3 = 0.454508492199418
_C4 = -0.2726975648521658
_C5 = 0.1176130840660221
_C6 = -0.024568534745087942

_S0 = _R0 - 127.0
_S1 = _R1 * 2.0 ** -23
_S2 = _R2 * 2.0 ** -46
_S3 = _R3 * 2.0 ** -69


def _log2_biased(x):
    bits = plsc.bitcast(x, jnp.int32)
    ebias = lax.shift_right_logical(bits, 23).astype(jnp.float32)
    zm = (bits & 0x007FFFFF).astype(jnp.float32)
    poly = ((jnp.float32(_S3) * zm + jnp.float32(_S2)) * zm
            + jnp.float32(_S1)) * zm + jnp.float32(_S0)
    return poly + ebias


def _log2_hi(x):
    bits = plsc.bitcast(x, jnp.int32)
    ebias = lax.shift_right_logical(bits, 23).astype(jnp.float32)
    fbits = (bits & 0x007FFFFF) | 0x3F800000
    z = plsc.bitcast(fbits, jnp.float32) - 1.0
    acc = jnp.float32(_C6)
    for c in (_C5, _C4, _C3, _C2, _C1, _C0):
        acc = acc * z + jnp.float32(c)
    return acc + (ebias - 127.0)


def _body(means_hbm, prec_hbm, tgt_hbm, pm_hbm, pp_hbm, part_hbm,
          pbuf0, pbuf1, mbuf0, mbuf1, tbuf0, tbuf1,
          acc_p, acc_pm, acc_pm2, acc_l2, cnt, pmout, lpsum,
          sem0, sem1, semo):
    cid = lax.axis_index("c")
    sid = lax.axis_index("s")
    wid = sid * NC + cid
    c0 = wid * DC

    pbufs = (pbuf0, pbuf1)
    mbufs = (mbuf0, mbuf1)
    tbufs = (tbuf0, tbuf1)
    sems = (sem0, sem1)

    zvec = jnp.zeros((L,), jnp.float32)
    onevec = jnp.ones((L,), jnp.float32)
    iota = lax.iota(jnp.int32, L)

    def fire(b, h):
        pltpu.async_copy(prec_hbm.at[b, pl.ds(h * CH, CH), pl.ds(c0, DC)],
                         pbufs[h], sems[h])
        pltpu.async_copy(means_hbm.at[b, pl.ds(h * CH, CH), pl.ds(c0, DC)],
                         mbufs[h], sems[h])
        pltpu.async_copy(tgt_hbm.at[b, pl.ds(h * CH, CH)], tbufs[h], sems[h])

    def drain(b, h):
        pltpu.make_async_copy(
            prec_hbm.at[b, pl.ds(h * CH, CH), pl.ds(c0, DC)],
            pbufs[h], sems[h]).wait()
        pltpu.make_async_copy(
            means_hbm.at[b, pl.ds(h * CH, CH), pl.ds(c0, DC)],
            mbufs[h], sems[h]).wait()
        pltpu.make_async_copy(tgt_hbm.at[b, pl.ds(h * CH, CH)],
                              tbufs[h], sems[h]).wait()

    def zero_partial_accs():
        @plsc.parallel_loop(0, C, unroll=4)
        def zloop(c):
            acc_pm[c] = zvec
            acc_pm2[c] = zvec
            acc_l2[c] = zvec

        @plsc.parallel_loop(0, C // L, unroll=2)
        def zcnt(g):
            cnt[pl.ds(g * L, L)] = zvec

    def zero_accp():
        @plsc.parallel_loop(0, C, unroll=4)
        def zp(c):
            acc_p[c] = zvec

    def zero_lpsum():
        @plsc.parallel_loop(0, C // L, unroll=2)
        def zl(g):
            lpsum[pl.ds(g * L, L)] = zvec

    def do_half(b, h):
        if h == 0:
            fire(b, 1)
        else:
            @pl.when(b < B - 1)
            def _():
                fire(b + 1, 0)

        drain(b, h)
        pbuf = pbufs[h]
        mbuf = mbufs[h]
        tbuf = tbufs[h]

        @plsc.parallel_loop(0, CH // L, unroll=4)
        def count(g):
            tvec = tbuf[pl.ds(g * L, L)]
            plsc.addupdate_scatter(cnt, [tvec], onevec)

        @plsc.parallel_loop(0, CH, unroll=8)
        def row(n):
            tb = plsc.load_gather(tbuf, [jnp.broadcast_to(n, (L,))])
            p = pbuf[n]
            m = mbuf[n]
            pm = p * m
            pmm = pm * m
            l2 = _log2_biased(p)
            plsc.addupdate_scatter(acc_p, [tb, iota], p)
            plsc.addupdate_scatter(acc_pm, [tb, iota], pm)
            plsc.addupdate_scatter(acc_pm2, [tb, iota], pmm)
            plsc.addupdate_scatter(acc_l2, [tb, iota], l2)

    def batch_body(b, carry):
        do_half(b, 0)
        do_half(b, 1)

        @pl.when(b > 0)
        def _():
            pltpu.make_async_copy(pmout, pm_hbm.at[b - 1, :, pl.ds(c0, DC)],
                                  semo).wait()
            pltpu.make_async_copy(lpsum, part_hbm.at[wid, b - 1], semo).wait()

        zero_lpsum()

        @plsc.parallel_loop(0, C, unroll=4)
        def cflush(c):
            s1 = acc_p[c]
            s2 = acc_pm[c]
            s3 = acc_pm2[c]
            sl = acc_l2[c]
            nv = plsc.load_gather(cnt, [jnp.broadcast_to(c, (L,))])
            pmv = s2 / s1
            pmout[c] = pmv
            l2s1 = _log2_hi(s1)
            nm = jnp.maximum(nv, onevec)
            lp = 0.5 * ((1.0 - nm) * jnp.float32(LOG2PI)
                        + jnp.float32(LN2) * (sl - l2s1)
                        + (s1 * pmv * pmv - s3))
            plsc.addupdate_scatter(lpsum, [jnp.broadcast_to(c, (L,))], lp)

        pltpu.async_copy(acc_p, pp_hbm.at[b, :, pl.ds(c0, DC)], semo)
        pltpu.async_copy(pmout, pm_hbm.at[b, :, pl.ds(c0, DC)], semo)
        pltpu.async_copy(lpsum, part_hbm.at[wid, b], semo)
        zero_partial_accs()
        pltpu.make_async_copy(acc_p, pp_hbm.at[b, :, pl.ds(c0, DC)],
                              semo).wait()
        zero_accp()
        return carry

    zero_partial_accs()
    zero_accp()
    zero_lpsum()
    fire(0, 0)
    lax.fori_loop(0, B, batch_body, 0)
    pltpu.make_async_copy(pmout, pm_hbm.at[B - 1, :, pl.ds(c0, DC)],
                          semo).wait()
    pltpu.make_async_copy(lpsum, part_hbm.at[wid, B - 1], semo).wait()


@jax.jit
def kernel(means, precisions, targets):
    mesh = plsc.VectorSubcoreMesh(core_axis_name="c", subcore_axis_name="s",
                                  num_cores=NC, num_subcores=NS)
    k = pl.kernel(
        _body,
        out_type=(
            jax.ShapeDtypeStruct((B, C, D), jnp.float32),
            jax.ShapeDtypeStruct((B, C, D), jnp.float32),
            jax.ShapeDtypeStruct((NW, B, C), jnp.float32),
        ),
        mesh=mesh,
        compiler_params=pltpu.CompilerParams(use_tc_tiling_on_sc=False,
                                             needs_layout_passes=False),
        scratch_types=[
            pltpu.VMEM((CH, DC), jnp.float32),
            pltpu.VMEM((CH, DC), jnp.float32),
            pltpu.VMEM((CH, DC), jnp.float32),
            pltpu.VMEM((CH, DC), jnp.float32),
            pltpu.VMEM((CH,), jnp.int32),
            pltpu.VMEM((CH,), jnp.int32),
            pltpu.VMEM((C, L), jnp.float32),
            pltpu.VMEM((C, L), jnp.float32),
            pltpu.VMEM((C, L), jnp.float32),
            pltpu.VMEM((C, L), jnp.float32),
            pltpu.VMEM((C,), jnp.float32),
            pltpu.VMEM((C, L), jnp.float32),
            pltpu.VMEM((C,), jnp.float32),
            pltpu.SemaphoreType.DMA,
            pltpu.SemaphoreType.DMA,
            pltpu.SemaphoreType.DMA,
        ],
    )
    pm, pp, part = k(means, precisions, targets)
    lpn = part.sum(axis=0)
    return (pm, pp, lpn)

# --- scband reference (transcript-rebuilt; emitter-appended) ---
"""Pipeline reference for scband-generative-contrastive-modelling-23699629540092 (READ-ONLY COPY).

The authoritative reference and input builder live on the scoring server;
editing this copy changes nothing except your own understanding.
"""

import jax, jax.numpy as jnp
import numpy as np
import math

NUM_CLASSES = 128


def setup_inputs(seed: int = 0) -> dict:
    key = jax.random.key(seed)
    k1, k2, k3 = jax.random.split(key, 3)
    means = jax.random.normal(k1, (16, 2048, 512), dtype=jnp.float32)
    precisions = jax.random.uniform(k2, (16, 2048, 512), dtype=jnp.float32)
    targets = jax.random.randint(k3, (16, 2048), 0, NUM_CLASSES, dtype=jnp.int32)
    return {"means": means, "precisions": precisions, "targets": targets}


def _seg_sum(data, targets, num_classes):
    # batched scatter-add along axis 1: (B, N, D) + (B, N) -> (B, C, D)
    return jax.vmap(lambda d, t: jax.ops.segment_sum(d, t, num_segments=num_classes))(data, targets)


def reference(means, precisions, targets):
    batch_size, num_examples, embedding_size = means.shape
    num_classes = NUM_CLASSES  # == len(unique(targets)) by construction

    # get_num_samples: scatter_add of ones -> per-class counts
    ones = jnp.ones(targets.shape, dtype=means.dtype)
    num_samples = jax.vmap(lambda o, t: jax.ops.segment_sum(o, t, num_segments=num_classes))(ones, targets)
    num_samples = jnp.maximum(num_samples, jnp.ones_like(num_samples))[..., None]  # (B, C, 1)

    product_precision = _seg_sum(precisions, targets, num_classes)
    product_mean = jnp.reciprocal(product_precision) * _seg_sum(precisions * means, targets, num_classes)
    product_normalisation_exponent = 0.5 * (
        product_precision * jnp.square(product_mean)
        - _seg_sum(precisions * jnp.square(means), targets, num_classes)
    )
    log_product_normalisation = (
        0.5 * (1.0 - num_samples) * jnp.log(jnp.ones_like(num_samples) * (2.0 * math.pi))
        + 0.5 * (_seg_sum(jnp.log(precisions), targets, num_classes) - jnp.log(product_precision))
        + product_normalisation_exponent
    )
    log_product_normalisation = log_product_normalisation.sum(axis=-1)
    return (product_mean, product_precision, log_product_normalisation)

if __name__ == "__main__":
    import jax
    _d = setup_inputs()
    print(jax.jit(kernel)(*tuple(_d.values())))

</pallas_src>

<mosaic_0001>
#map = affine_map<(d0, d1) -> (0, 0, 0)>
#map1 = affine_map<(d0, d1) -> (0, 0)>
module attributes {stable_mosaic.version = 14 : i64} {
  func.func @_body(%arg0: i32, %arg1: i32, %arg2: memref<16x2048x512xf32, #tpu.memory_space<hbm>>, %arg3: memref<16x2048x512xf32, #tpu.memory_space<hbm>>, %arg4: memref<16x2048xi32, #tpu.memory_space<hbm>>, %arg5: memref<16x128x512xf32, #tpu.memory_space<hbm>>, %arg6: memref<16x128x512xf32, #tpu.memory_space<hbm>>, %arg7: memref<32x16x128xf32, #tpu.memory_space<hbm>>, %arg8: memref<1024x16xf32, #tpu.memory_space<vmem>>, %arg9: memref<1024x16xf32, #tpu.memory_space<vmem>>, %arg10: memref<1024x16xf32, #tpu.memory_space<vmem>>, %arg11: memref<1024x16xf32, #tpu.memory_space<vmem>>, %arg12: memref<1024xi32, #tpu.memory_space<vmem>>, %arg13: memref<1024xi32, #tpu.memory_space<vmem>>, %arg14: memref<128x16xf32, #tpu.memory_space<vmem>>, %arg15: memref<128x16xf32, #tpu.memory_space<vmem>>, %arg16: memref<128x16xf32, #tpu.memory_space<vmem>>, %arg17: memref<128x16xf32, #tpu.memory_space<vmem>>, %arg18: memref<128xf32, #tpu.memory_space<vmem>>, %arg19: memref<128x16xf32, #tpu.memory_space<vmem>>, %arg20: memref<128xf32, #tpu.memory_space<vmem>>, %arg21: memref<!tpu.dma_semaphore, #tpu.memory_space<semaphore_mem>>, %arg22: memref<!tpu.dma_semaphore, #tpu.memory_space<semaphore_mem>>, %arg23: memref<!tpu.dma_semaphore, #tpu.memory_space<semaphore_mem>>) attributes {dimension_semantics = [#tpu.dimension_semantics<core_parallel>, #tpu.dimension_semantics<subcore_parallel>], iteration_bounds = array<i64: 2, 16>, scalar_prefetch = 0 : i64, scratch_operands = 16 : i64, tpu.core_type = #tpu.core_type<sc_vector_subcore>, window_params = [{transform_indices = #map}, {transform_indices = #map}, {transform_indices = #map1}, {transform_indices = #map}, {transform_indices = #map}, {transform_indices = #map}]} {
    %mul3A = arith.constant 2 : i32
    %mul3A_0 = arith.muli %arg1, %mul3A : i32
    %add3A = arith.addi %mul3A_0, %arg0 : i32
    %mul3A_1 = arith.constant 16 : i32
    %mul3A_2 = arith.muli %add3A, %mul3A_1 : i32
    %broadcast_in_dim3A = arith.constant 0.000000e+00 : f32
    %broadcast_in_dim3A_3 = vector.broadcast %broadcast_in_dim3A : f32 to vector<16xf32>
    %broadcast_in_dim3A_4 = arith.constant 1.000000e+00 : f32
    %broadcast_in_dim3A_5 = vector.broadcast %broadcast_in_dim3A_4 : f32 to vector<16xf32>
    %iota3A = tpu.iota {dimensions = array<i32: 0>} : vector<16xi32>
    %parallel_loop3A = arith.constant 0 : i32
    %parallel_loop3A_6 = arith.constant 128 : i32
    %parallel_loop3A_7 = arith.constant 1 : i32
    scf.for %parallel_loop3A_55 = %parallel_loop3A to %parallel_loop3A_6 step %parallel_loop3A_7  : i32 {
      %parallel_loop3A_56 = arith.index_cast %parallel_loop3A_55 : i32 to index
      %parallel_loop3A_57 = arith.constant 0 : index
      %parallel_loop3A_58 = tpu.vector_load %arg15[%parallel_loop3A_56, %parallel_loop3A_57] {strides = array<i32>} : memref<128x16xf32, #tpu.memory_space<vmem>>, vector<16xf32>,
      tpu.vector_store %arg15[%parallel_loop3A_56, %parallel_loop3A_57], %broadcast_in_dim3A_3 {strides = array<i32>} : memref<128x16xf32, #tpu.memory_space<vmem>>, vector<16xf32>,
      %parallel_loop3A_59 = arith.index_cast %parallel_loop3A_55 : i32 to index
      %parallel_loop3A_60 = arith.constant 0 : index
      %parallel_loop3A_61 = tpu.vector_load %arg16[%parallel_loop3A_59, %parallel_loop3A_60] {strides = array<i32>} : memref<128x16xf32, #tpu.memory_space<vmem>>, vector<16xf32>,
      tpu.vector_store %arg16[%parallel_loop3A_59, %parallel_loop3A_60], %broadcast_in_dim3A_3 {strides = array<i32>} : memref<128x16xf32, #tpu.memory_space<vmem>>, vector<16xf32>,
      %parallel_loop3A_62 = arith.index_cast %parallel_loop3A_55 : i32 to index
      %parallel_loop3A_63 = arith.constant 0 : index
      %parallel_loop3A_64 = tpu.vector_load %arg17[%parallel_loop3A_62, %parallel_loop3A_63] {strides = array<i32>} : memref<128x16xf32, #tpu.memory_space<vmem>>, vector<16xf32>,
      tpu.vector_store %arg17[%parallel_loop3A_62, %parallel_loop3A_63], %broadcast_in_dim3A_3 {strides = array<i32>} : memref<128x16xf32, #tpu.memory_space<vmem>>, vector<16xf32>,
    } {sc.loop_unroll_factor = 4 : i64, sc.parallel_access}
    %parallel_loop3A_8 = arith.constant 0 : i32
    %parallel_loop3A_9 = arith.constant 8 : i32
    %parallel_loop3A_10 = arith.constant 1 : i32
    scf.for %parallel_loop3A_55 = %parallel_loop3A_8 to %parallel_loop3A_9 step %parallel_loop3A_10  : i32 {
      %parallel_loop3A_56 = arith.constant 16 : i32
      %parallel_loop3A_57 = arith.muli %parallel_loop3A_55, %parallel_loop3A_56 : i32
      %parallel_loop3A_58 = arith.index_cast %parallel_loop3A_57 : i32 to index
      %parallel_loop3A_59 = tpu.vector_load %arg18[%parallel_loop3A_58] {strides = array<i32>} : memref<128xf32, #tpu.memory_space<vmem>>, vector<16xf32>,
      tpu.vector_store %arg18[%parallel_loop3A_58], %broadcast_in_dim3A_3 {strides = array<i32>} : memref<128xf32, #tpu.memory_space<vmem>>, vector<16xf32>,
    } {sc.loop_unroll_factor = 2 : i64, sc.parallel_access}
    %parallel_loop3A_11 = arith.constant 0 : i32
    %parallel_loop3A_12 = arith.constant 128 : i32
    %parallel_loop3A_13 = arith.constant 1 : i32
    scf.for %parallel_loop3A_55 = %parallel_loop3A_11 to %parallel_loop3A_12 step %parallel_loop3A_13  : i32 {
      %parallel_loop3A_56 = arith.index_cast %parallel_loop3A_55 : i32 to index
      %parallel_loop3A_57 = arith.constant 0 : index
      %parallel_loop3A_58 = tpu.vector_load %arg14[%parallel_loop3A_56, %parallel_loop3A_57] {strides = array<i32>} : memref<128x16xf32, #tpu.memory_space<vmem>>, vector<16xf32>,
      tpu.vector_store %arg14[%parallel_loop3A_56, %parallel_loop3A_57], %broadcast_in_dim3A_3 {strides = array<i32>} : memref<128x16xf32, #tpu.memory_space<vmem>>, vector<16xf32>,
    } {sc.loop_unroll_factor = 4 : i64, sc.parallel_access}
    %parallel_loop3A_14 = arith.constant 0 : i32
    %parallel_loop3A_15 = arith.constant 8 : i32
    %parallel_loop3A_16 = arith.constant 1 : i32
    scf.for %parallel_loop3A_55 = %parallel_loop3A_14 to %parallel_loop3A_15 step %parallel_loop3A_16  : i32 {
      %parallel_loop3A_56 = arith.constant 16 : i32
      %parallel_loop3A_57 = arith.muli %parallel_loop3A_55, %parallel_loop3A_56 : i32
      %parallel_loop3A_58 = arith.index_cast %parallel_loop3A_57 : i32 to index
      %parallel_loop3A_59 = tpu.vector_load %arg20[%parallel_loop3A_58] {strides = array<i32>} : memref<128xf32, #tpu.memory_space<vmem>>, vector<16xf32>,
      tpu.vector_store %arg20[%parallel_loop3A_58], %broadcast_in_dim3A_3 {strides = array<i32>} : memref<128xf32, #tpu.memory_space<vmem>>, vector<16xf32>,
    } {sc.loop_unroll_factor = 2 : i64, sc.parallel_access}
    %dma_start3A = arith.constant 0 : i32
    %dma_start3A_17 = arith.constant 0 : i32
    %dma_start3A_18 = tpu.memref_slice %arg3[%dma_start3A, %dma_start3A_17, %mul3A_2] : memref<16x2048x512xf32, #tpu.memory_space<hbm>> -> memref<1x1024x16xf32, #tpu.memory_space<hbm>>
    %dma_start3A_19 = tpu.memref_squeeze %dma_start3A_18 : memref<1x1024x16xf32, #tpu.memory_space<hbm>> -> memref<1024x16xf32, #tpu.memory_space<hbm>>
    %dma_start3A_20 = arith.constant 0 : i32
    %dma_start3A_21 = tpu.memref_slice %arg3[%dma_start3A, %dma_start3A_20, %mul3A_2] : memref<16x2048x512xf32, #tpu.memory_space<hbm>> -> memref<1x1024x16xf32, #tpu.memory_space<hbm>>
    %dma_start3A_22 = tpu.memref_squeeze %dma_start3A_21 : memref<1x1024x16xf32, #tpu.memory_space<hbm>> -> memref<1024x16xf32, #tpu.memory_space<hbm>>
    tpu.enqueue_dma source(%dma_start3A_22 : memref<1024x16xf32, #tpu.memory_space<hbm>>) target(%arg8 : memref<1024x16xf32, #tpu.memory_space<vmem>>) target_semaphore(%arg21 : memref<!tpu.dma_semaphore, #tpu.memory_space<semaphore_mem>>)
    %dma_start3A_23 = arith.constant 0 : i32
    %dma_start3A_24 = arith.constant 0 : i32
    %dma_start3A_25 = tpu.memref_slice %arg2[%dma_start3A_23, %dma_start3A_24, %mul3A_2] : memref<16x2048x512xf32, #tpu.memory_space<hbm>> -> memref<1x1024x16xf32, #tpu.memory_space<hbm>>
    %dma_start3A_26 = tpu.memref_squeeze %dma_start3A_25 : memref<1x1024x16xf32, #tpu.memory_space<hbm>> -> memref<1024x16xf32, #tpu.memory_space<hbm>>
    %dma_start3A_27 = arith.constant 0 : i32
    %dma_start3A_28 = tpu.memref_slice %arg2[%dma_start3A_23, %dma_start3A_27, %mul3A_2] : memref<16x2048x512xf32, #tpu.memory_space<hbm>> -> memref<1x1024x16xf32, #tpu.memory_space<hbm>>
    %dma_start3A_29 = tpu.memref_squeeze %dma_start3A_28 : memref<1x1024x16xf32, #tpu.memory_space<hbm>> -> memref<1024x16xf32, #tpu.memory_space<hbm>>
    tpu.enqueue_dma source(%dma_start3A_29 : memref<1024x16xf32, #tpu.memory_space<hbm>>) target(%arg10 : memref<1024x16xf32, #tpu.memory_space<vmem>>) target_semaphore(%arg21 : memref<!tpu.dma_semaphore, #tpu.memory_space<semaphore_mem>>)
    %dma_start3A_30 = arith.constant 0 : i32
    %dma_start3A_31 = arith.constant 0 : i32
    %dma_start3A_32 = tpu.memref_slice %arg4[%dma_start3A_30, %dma_start3A_31] : memref<16x2048xi32, #tpu.memory_space<hbm>> -> memref<1x1024xi32, #tpu.memory_space<hbm>>
    %dma_start3A_33 = tpu.memref_squeeze %dma_start3A_32 : memref<1x1024xi32, #tpu.memory_space<hbm>> -> memref<1024xi32, #tpu.memory_space<hbm>>
    %dma_start3A_34 = arith.constant 0 : i32
    %dma_start3A_35 = tpu.memref_slice %arg4[%dma_start3A_30, %dma_start3A_34] : memref<16x2048xi32, #tpu.memory_space<hbm>> -> memref<1x1024xi32, #tpu.memory_space<hbm>>
    %dma_start3A_36 = tpu.memref_squeeze %dma_start3A_35 : memref<1x1024xi32, #tpu.memory_space<hbm>> -> memref<1024xi32, #tpu.memory_space<hbm>>
    tpu.enqueue_dma source(%dma_start3A_36 : memref<1024xi32, #tpu.memory_space<hbm>>) target(%arg12 : memref<1024xi32, #tpu.memory_space<vmem>>) target_semaphore(%arg21 : memref<!tpu.dma_semaphore, #tpu.memory_space<semaphore_mem>>)
    %scan3A = arith.constant 0 : i32
    %scan3A_37 = arith.constant 0 : i32
    %scan3A_38 = arith.constant 16 : i32
    %scan3A_39 = arith.addi %scan3A_37, %scan3A_38 : i32
    %scan3A_40 = arith.constant 1 : i32
    scf.for %scan3A_55 = %scan3A_37 to %scan3A_39 step %scan3A_40  : i32 {
      %dma_start3A_56 = arith.constant 1024 : i32
      %dma_start3A_57 = tpu.memref_slice %arg3[%scan3A_55, %dma_start3A_56, %mul3A_2] : memref<16x2048x512xf32, #tpu.memory_space<hbm>> -> memref<1x1024x16xf32, #tpu.memory_space<hbm>>
      %dma_start3A_58 = tpu.memref_squeeze %dma_start3A_57 : memref<1x1024x16xf32, #tpu.memory_space<hbm>> -> memref<1024x16xf32, #tpu.memory_space<hbm>>
      %dma_start3A_59 = arith.constant 1024 : i32
      %dma_start3A_60 = tpu.memref_slice %arg3[%scan3A_55, %dma_start3A_59, %mul3A_2] : memref<16x2048x512xf32, #tpu.memory_space<hbm>> -> memref<1x1024x16xf32, #tpu.memory_space<hbm>>
      %dma_start3A_61 = tpu.memref_squeeze %dma_start3A_60 : memref<1x1024x16xf32, #tpu.memory_space<hbm>> -> memref<1024x16xf32, #tpu.memory_space<hbm>>
      tpu.enqueue_dma source(%dma_start3A_61 : memref<1024x16xf32, #tpu.memory_space<hbm>>) target(%arg9 : memref<1024x16xf32, #tpu.memory_space<vmem>>) target_semaphore(%arg22 : memref<!tpu.dma_semaphore, #tpu.memory_space<semaphore_mem>>)
      %dma_start3A_62 = arith.constant 1024 : i32
      %dma_start3A_63 = tpu.memref_slice %arg2[%scan3A_55, %dma_start3A_62, %mul3A_2] : memref<16x2048x512xf32, #tpu.memory_space<hbm>> -> memref<1x1024x16xf32, #tpu.memory_space<hbm>>
      %dma_start3A_64 = tpu.memref_squeeze %dma_start3A_63 : memref<1x1024x16xf32, #tpu.memory_space<hbm>> -> memref<1024x16xf32, #tpu.memory_space<hbm>>
      %dma_start3A_65 = arith.constant 1024 : i32
      %dma_start3A_66 = tpu.memref_slice %arg2[%scan3A_55, %dma_start3A_65, %mul3A_2] : memref<16x2048x512xf32, #tpu.memory_space<hbm>> -> memref<1x1024x16xf32, #tpu.memory_space<hbm>>
      %dma_start3A_67 = tpu.memref_squeeze %dma_start3A_66 : memref<1x1024x16xf32, #tpu.memory_space<hbm>> -> memref<1024x16xf32, #tpu.memory_space<hbm>>
      tpu.enqueue_dma source(%dma_start3A_67 : memref<1024x16xf32, #tpu.memory_space<hbm>>) target(%arg11 : memref<1024x16xf32, #tpu.memory_space<vmem>>) target_semaphore(%arg22 : memref<!tpu.dma_semaphore, #tpu.memory_space<semaphore_mem>>)
      %dma_start3A_68 = arith.constant 1024 : i32
      %dma_start3A_69 = tpu.memref_slice %arg4[%scan3A_55, %dma_start3A_68] : memref<16x2048xi32, #tpu.memory_space<hbm>> -> memref<1x1024xi32, #tpu.memory_space<hbm>>
      %dma_start3A_70 = tpu.memref_squeeze %dma_start3A_69 : memref<1x1024xi32, #tpu.memory_space<hbm>> -> memref<1024xi32, #tpu.memory_space<hbm>>
      %dma_start3A_71 = arith.constant 1024 : i32
      %dma_start3A_72 = tpu.memref_slice %arg4[%scan3A_55, %dma_start3A_71] : memref<16x2048xi32, #tpu.memory_space<hbm>> -> memref<1x1024xi32, #tpu.memory_space<hbm>>
      %dma_start3A_73 = tpu.memref_squeeze %dma_start3A_72 : memref<1x1024xi32, #tpu.memory_space<hbm>> -> memref<1024xi32, #tpu.memory_space<hbm>>
      tpu.enqueue_dma source(%dma_start3A_73 : memref<1024xi32, #tpu.memory_space<hbm>>) target(%arg13 : memref<1024xi32, #tpu.memory_space<vmem>>) target_semaphore(%arg22 : memref<!tpu.dma_semaphore, #tpu.memory_space<semaphore_mem>>)
      %dma_wait3A_74 = arith.constant 0 : i32
      %dma_wait3A_75 = tpu.memref_slice %arg3[%scan3A_55, %dma_wait3A_74, %mul3A_2] : memref<16x2048x512xf32, #tpu.memory_space<hbm>> -> memref<1x1024x16xf32, #tpu.memory_space<hbm>>
      %dma_wait3A_76 = tpu.memref_squeeze %dma_wait3A_75 : memref<1x1024x16xf32, #tpu.memory_space<hbm>> -> memref<1024x16xf32, #tpu.memory_space<hbm>>
      %dma_wait3A_77 = arith.constant 0 : i32
      %dma_wait3A_78 = tpu.memref_slice %arg3[%scan3A_55, %dma_wait3A_77, %mul3A_2] : memref<16x2048x512xf32, #tpu.memory_space<hbm>> -> memref<1x1024x16xf32, #tpu.memory_space<hbm>>
      %dma_wait3A_79 = tpu.memref_squeeze %dma_wait3A_78 : memref<1x1024x16xf32, #tpu.memory_space<hbm>> -> memref<1024x16xf32, #tpu.memory_space<hbm>>
      tpu.wait_dma2 semaphore(%arg21 : memref<!tpu.dma_semaphore, #tpu.memory_space<semaphore_mem>>) src(%dma_wait3A_79 : memref<1024x16xf32, #tpu.memory_space<hbm>>) dst(%arg8 : memref<1024x16xf32, #tpu.memory_space<vmem>>)
      %dma_wait3A_80 = arith.constant 0 : i32
      %dma_wait3A_81 = tpu.memref_slice %arg2[%scan3A_55, %dma_wait3A_80, %mul3A_2] : memref<16x2048x512xf32, #tpu.memory_space<hbm>> -> memref<1x1024x16xf32, #tpu.memory_space<hbm>>
      %dma_wait3A_82 = tpu.memref_squeeze %dma_wait3A_81 : memref<1x1024x16xf32, #tpu.memory_space<hbm>> -> memref<1024x16xf32, #tpu.memory_space<hbm>>
      %dma_wait3A_83 = arith.constant 0 : i32
      %dma_wait3A_84 = tpu.memref_slice %arg2[%scan3A_55, %dma_wait3A_83, %mul3A_2] : memref<16x2048x512xf32, #tpu.memory_space<hbm>> -> memref<1x1024x16xf32, #tpu.memory_space<hbm>>
      %dma_wait3A_85 = tpu.memref_squeeze %dma_wait3A_84 : memref<1x1024x16xf32, #tpu.memory_space<hbm>> -> memref<1024x16xf32, #tpu.memory_space<hbm>>
      tpu.wait_dma2 semaphore(%arg21 : memref<!tpu.dma_semaphore, #tpu.memory_space<semaphore_mem>>) src(%dma_wait3A_85 : memref<1024x16xf32, #tpu.memory_space<hbm>>) dst(%arg10 : memref<1024x16xf32, #tpu.memory_space<vmem>>)
      %dma_wait3A_86 = arith.constant 0 : i32
      %dma_wait3A_87 = tpu.memref_slice %arg4[%scan3A_55, %dma_wait3A_86] : memref<16x2048xi32, #tpu.memory_space<hbm>> -> memref<1x1024xi32, #tpu.memory_space<hbm>>
      %dma_wait3A_88 = tpu.memref_squeeze %dma_wait3A_87 : memref<1x1024xi32, #tpu.memory_space<hbm>> -> memref<1024xi32, #tpu.memory_space<hbm>>
      %dma_wait3A_89 = arith.constant 0 : i32
      %dma_wait3A_90 = tpu.memref_slice %arg4[%scan3A_55, %dma_wait3A_89] : memref<16x2048xi32, #tpu.memory_space<hbm>> -> memref<1x1024xi32, #tpu.memory_space<hbm>>
      %dma_wait3A_91 = tpu.memref_squeeze %dma_wait3A_90 : memref<1x1024xi32, #tpu.memory_space<hbm>> -> memref<1024xi32, #tpu.memory_space<hbm>>
      tpu.wait_dma2 semaphore(%arg21 : memref<!tpu.dma_semaphore, #tpu.memory_space<semaphore_mem>>) src(%dma_wait3A_91 : memref<1024xi32, #tpu.memory_space<hbm>>) dst(%arg12 : memref<1024xi32, #tpu.memory_space<vmem>>)
      %parallel_loop3A_92 = arith.constant 0 : i32
      %parallel_loop3A_93 = arith.constant 64 : i32
      %parallel_loop3A_94 = arith.constant 1 : i32
      scf.for %parallel_loop3A_167 = %parallel_loop3A_92 to %parallel_loop3A_93 step %parallel_loop3A_94  : i32 {
        %parallel_loop3A_168 = arith.constant 16 : i32
        %parallel_loop3A_169 = arith.muli %parallel_loop3A_167, %parallel_loop3A_168 : i32
        %parallel_loop3A_170 = arith.index_cast %parallel_loop3A_169 : i32 to index
        %parallel_loop3A_171 = tpu.vector_load %arg12[%parallel_loop3A_170] {strides = array<i32>} : memref<1024xi32, #tpu.memory_space<vmem>>, vector<16xi32>,
        tpu.vector_store_idx %arg18[%parallel_loop3A_171], %broadcast_in_dim3A_5 {add = true} : memref<128xf32, #tpu.memory_space<vmem>>[vector<16xi32>], vector<16xf32>,
      } {sc.loop_unroll_factor = 4 : i64, sc.parallel_access}
      %parallel_loop3A_95 = arith.constant 0 : i32
      %parallel_loop3A_96 = arith.constant 1024 : i32
      %parallel_loop3A_97 = arith.constant 1 : i32
      scf.for %parallel_loop3A_167 = %parallel_loop3A_95 to %parallel_loop3A_96 step %parallel_loop3A_97  : i32 {
        %parallel_loop3A_168 = vector.broadcast %parallel_loop3A_167 : i32 to vector<16xi32>
        %parallel_loop3A_169 = tpu.vector_load_idx %arg12[%parallel_loop3A_168] : memref<1024xi32, #tpu.memory_space<vmem>>[vector<16xi32>], vector<16xi32>,
        %parallel_loop3A_170 = arith.index_cast %parallel_loop3A_167 : i32 to index
        %parallel_loop3A_171 = arith.constant 0 : index
        %parallel_loop3A_172 = tpu.vector_load %arg8[%parallel_loop3A_170, %parallel_loop3A_171] {strides = array<i32>} : memref<1024x16xf32, #tpu.memory_space<vmem>>, vector<16xf32>,
        %parallel_loop3A_173 = arith.index_cast %parallel_loop3A_167 : i32 to index
        %parallel_loop3A_174 = arith.constant 0 : index
        %parallel_loop3A_175 = tpu.vector_load %arg10[%parallel_loop3A_173, %parallel_loop3A_174] {strides = array<i32>} : memref<1024x16xf32, #tpu.memory_space<vmem>>, vector<16xf32>,
        %parallel_loop3A_176 = arith.mulf %parallel_loop3A_172, %parallel_loop3A_175 : vector<16xf32>
        %parallel_loop3A_177 = arith.mulf %parallel_loop3A_176, %parallel_loop3A_175 : vector<16xf32>
        %parallel_loop3A_178 = vector.bitcast %parallel_loop3A_172 : vector<16xf32> to vector<16xi32>
        %parallel_loop3A_179 = arith.constant 23 : i32
        %parallel_loop3A_180 = vector.broadcast %parallel_loop3A_179 : i32 to vector<16xi32>
        %parallel_loop3A_181 = arith.shrui %parallel_loop3A_178, %parallel_loop3A_180 : vector<16xi32>
        %parallel_loop3A_182 = arith.sitofp %parallel_loop3A_181 : vector<16xi32> to vector<16xf32>
        %parallel_loop3A_183 = arith.constant 8388607 : i32
        %parallel_loop3A_184 = vector.broadcast %parallel_loop3A_183 : i32 to vector<16xi32>
        %parallel_loop3A_185 = arith.andi %parallel_loop3A_178, %parallel_loop3A_184 : vector<16xi32>
        %parallel_loop3A_186 = arith.sitofp %parallel_loop3A_185 : vector<16xi32> to vector<16xf32>
        %parallel_loop3A_187 = arith.constant 2.58684354E-22 : f32
        %parallel_loop3A_188 = vector.broadcast %parallel_loop3A_187 : f32 to vector<16xf32>
        %parallel_loop3A_189 = arith.mulf %parallel_loop3A_188, %parallel_loop3A_186 : vector<16xf32>
        %parallel_loop3A_190 = arith.constant -8.0817709E-15 : f32
        %parallel_loop3A_191 = vector.broadcast %parallel_loop3A_190 : f32 to vector<16xf32>
        %parallel_loop3A_192 = arith.addf %parallel_loop3A_189, %parallel_loop3A_191 : vector<16xf32>
        %parallel_loop3A_193 = arith.mulf %parallel_loop3A_192, %parallel_loop3A_186 : vector<16xf32>
        %parallel_loop3A_194 = arith.constant 1.68759016E-7 : f32
        %parallel_loop3A_195 = vector.broadcast %parallel_loop3A_194 : f32 to vector<16xf32>
        %parallel_loop3A_196 = arith.addf %parallel_loop3A_193, %parallel_loop3A_195 : vector<16xf32>
        %parallel_loop3A_197 = arith.mulf %parallel_loop3A_196, %parallel_loop3A_186 : vector<16xf32>
        %parallel_loop3A_198 = arith.constant -126.999176 : f32
        %parallel_loop3A_199 = vector.broadcast %parallel_loop3A_198 : f32 to vector<16xf32>
        %parallel_loop3A_200 = arith.addf %parallel_loop3A_197, %parallel_loop3A_199 : vector<16xf32>
        %parallel_loop3A_201 = arith.addf %parallel_loop3A_200, %parallel_loop3A_182 : vector<16xf32>
        tpu.vector_store_idx %arg14[%parallel_loop3A_169, %iota3A], %parallel_loop3A_172 {add = true} : memref<128x16xf32, #tpu.memory_space<vmem>>[vector<16xi32>, vector<16xi32>], vector<16xf32>,
        tpu.vector_store_idx %arg15[%parallel_loop3A_169, %iota3A], %parallel_loop3A_176 {add = true} : memref<128x16xf32, #tpu.memory_space<vmem>>[vector<16xi32>, vector<16xi32>], vector<16xf32>,
        tpu.vector_store_idx %arg16[%parallel_loop3A_169, %iota3A], %parallel_loop3A_177 {add = true} : memref<128x16xf32, #tpu.memory_space<vmem>>[vector<16xi32>, vector<16xi32>], vector<16xf32>,
        tpu.vector_store_idx %arg17[%parallel_loop3A_169, %iota3A], %parallel_loop3A_201 {add = true} : memref<128x16xf32, #tpu.memory_space<vmem>>[vector<16xi32>, vector<16xi32>], vector<16xf32>,
      } {sc.loop_unroll_factor = 8 : i64, sc.parallel_access}
      %lt3A = arith.constant 15 : i32
      %lt3A_98 = arith.cmpi slt, %scan3A_55, %lt3A : i32
      %convert_element_type3A = arith.extui %lt3A_98 : i1 to i32
      %cond3A = arith.constant 0 : i32
      %cond3A_99 = arith.cmpi ne, %convert_element_type3A, %cond3A : i32
      scf.if %cond3A_99 {
        %add3A_167 = arith.constant 1 : i32
        %add3A_168 = arith.addi %scan3A_55, %add3A_167 : i32
        %dma_start3A_169 = arith.constant 0 : i32
        %dma_start3A_170 = tpu.memref_slice %arg3[%add3A_168, %dma_start3A_169, %mul3A_2] : memref<16x2048x512xf32, #tpu.memory_space<hbm>> -> memref<1x1024x16xf32, #tpu.memory_space<hbm>>
        %dma_start3A_171 = tpu.memref_squeeze %dma_start3A_170 : memref<1x1024x16xf32, #tpu.memory_space<hbm>> -> memref<1024x16xf32, #tpu.memory_space<hbm>>
        %dma_start3A_172 = arith.constant 0 : i32
        %dma_start3A_173 = tpu.memref_slice %arg3[%add3A_168, %dma_start3A_172, %mul3A_2] : memref<16x2048x512xf32, #tpu.memory_space<hbm>> -> memref<1x1024x16xf32, #tpu.memory_space<hbm>>
        %dma_start3A_174 = tpu.memref_squeeze %dma_start3A_173 : memref<1x1024x16xf32, #tpu.memory_space<hbm>> -> memref<1024x16xf32, #tpu.memory_space<hbm>>
        tpu.enqueue_dma source(%dma_start3A_174 : memref<1024x16xf32, #tpu.memory_space<hbm>>) target(%arg8 : memref<1024x16xf32, #tpu.memory_space<vmem>>) target_semaphore(%arg21 : memref<!tpu.dma_semaphore, #tpu.memory_space<semaphore_mem>>)
        %dma_start3A_175 = arith.constant 0 : i32
        %dma_start3A_176 = tpu.memref_slice %arg2[%add3A_168, %dma_start3A_175, %mul3A_2] : memref<16x2048x512xf32, #tpu.memory_space<hbm>> -> memref<1x1024x16xf32, #tpu.memory_space<hbm>>
        %dma_start3A_177 = tpu.memref_squeeze %dma_start3A_176 : memref<1x1024x16xf32, #tpu.memory_space<hbm>> -> memref<1024x16xf32, #tpu.memory_space<hbm>>
        %dma_start3A_178 = arith.constant 0 : i32
        %dma_start3A_179 = tpu.memref_slice %arg2[%add3A_168, %dma_start3A_178, %mul3A_2] : memref<16x2048x512xf32, #tpu.memory_space<hbm>> -> memref<1x1024x16xf32, #tpu.memory_space<hbm>>
        %dma_start3A_180 = tpu.memref_squeeze %dma_start3A_179 : memref<1x1024x16xf32, #tpu.memory_space<hbm>> -> memref<1024x16xf32, #tpu.memory_space<hbm>>
        tpu.enqueue_dma source(%dma_start3A_180 : memref<1024x16xf32, #tpu.memory_space<hbm>>) target(%arg10 : memref<1024x16xf32, #tpu.memory_space<vmem>>) target_semaphore(%arg21 : memref<!tpu.dma_semaphore, #tpu.memory_space<semaphore_mem>>)
        %dma_start3A_181 = arith.constant 0 : i32
        %dma_start3A_182 = tpu.memref_slice %arg4[%add3A_168, %dma_start3A_181] : memref<16x2048xi32, #tpu.memory_space<hbm>> -> memref<1x1024xi32, #tpu.memory_space<hbm>>
        %dma_start3A_183 = tpu.memref_squeeze %dma_start3A_182 : memref<1x1024xi32, #tpu.memory_space<hbm>> -> memref<1024xi32, #tpu.memory_space<hbm>>
        %dma_start3A_184 = arith.constant 0 : i32
        %dma_start3A_185 = tpu.memref_slice %arg4[%add3A_168, %dma_start3A_184] : memref<16x2048xi32, #tpu.memory_space<hbm>> -> memref<1x1024xi32, #tpu.memory_space<hbm>>
        %dma_start3A_186 = tpu.memref_squeeze %dma_start3A_185 : memref<1x1024xi32, #tpu.memory_space<hbm>> -> memref<1024xi32, #tpu.memory_space<hbm>>
        tpu.enqueue_dma source(%dma_start3A_186 : memref<1024xi32, #tpu.memory_space<hbm>>) target(%arg12 : memref<1024xi32, #tpu.memory_space<vmem>>) target_semaphore(%arg21 : memref<!tpu.dma_semaphore, #tpu.memory_space<semaphore_mem>>)
      } else {
      }
      %dma_wait3A_100 = arith.constant 1024 : i32
      %dma_wait3A_101 = tpu.memref_slice %arg3[%scan3A_55, %dma_wait3A_100, %mul3A_2] : memref<16x2048x512xf32, #tpu.memory_space<hbm>> -> memref<1x1024x16xf32, #tpu.memory_space<hbm>>
      %dma_wait3A_102 = tpu.memref_squeeze %dma_wait3A_101 : memref<1x1024x16xf32, #tpu.memory_space<hbm>> -> memref<1024x16xf32, #tpu.memory_space<hbm>>
      %dma_wait3A_103 = arith.constant 1024 : i32
      %dma_wait3A_104 = tpu.memref_slice %arg3[%scan3A_55, %dma_wait3A_103, %mul3A_2] : memref<16x2048x512xf32, #tpu.memory_space<hbm>> -> memref<1x1024x16xf32, #tpu.memory_space<hbm>>
      %dma_wait3A_105 = tpu.memref_squeeze %dma_wait3A_104 : memref<1x1024x16xf32, #tpu.memory_space<hbm>> -> memref<1024x16xf32, #tpu.memory_space<hbm>>
      tpu.wait_dma2 semaphore(%arg22 : memref<!tpu.dma_semaphore, #tpu.memory_space<semaphore_mem>>) src(%dma_wait3A_105 : memref<1024x16xf32, #tpu.memory_space<hbm>>) dst(%arg9 : memref<1024x16xf32, #tpu.memory_space<vmem>>)
      %dma_wait3A_106 = arith.constant 1024 : i32
      %dma_wait3A_107 = tpu.memref_slice %arg2[%scan3A_55, %dma_wait3A_106, %mul3A_2] : memref<16x2048x512xf32, #tpu.memory_space<hbm>> -> memref<1x1024x16xf32, #tpu.memory_space<hbm>>
      %dma_wait3A_108 = tpu.memref_squeeze %dma_wait3A_107 : memref<1x1024x16xf32, #tpu.memory_space<hbm>> -> memref<1024x16xf32, #tpu.memory_space<hbm>>
      %dma_wait3A_109 = arith.constant 1024 : i32
      %dma_wait3A_110 = tpu.memref_slice %arg2[%scan3A_55, %dma_wait3A_109, %mul3A_2] : memref<16x2048x512xf32, #tpu.memory_space<hbm>> -> memref<1x1024x16xf32, #tpu.memory_space<hbm>>
      %dma_wait3A_111 = tpu.memref_squeeze %dma_wait3A_110 : memref<1x1024x16xf32, #tpu.memory_space<hbm>> -> memref<1024x16xf32, #tpu.memory_space<hbm>>
      tpu.wait_dma2 semaphore(%arg22 : memref<!tpu.dma_semaphore, #tpu.memory_space<semaphore_mem>>) src(%dma_wait3A_111 : memref<1024x16xf32, #tpu.memory_space<hbm>>) dst(%arg11 : memref<1024x16xf32, #tpu.memory_space<vmem>>)
      %dma_wait3A_112 = arith.constant 1024 : i32
      %dma_wait3A_113 = tpu.memref_slice %arg4[%scan3A_55, %dma_wait3A_112] : memref<16x2048xi32, #tpu.memory_space<hbm>> -> memref<1x1024xi32, #tpu.memory_space<hbm>>
      %dma_wait3A_114 = tpu.memref_squeeze %dma_wait3A_113 : memref<1x1024xi32, #tpu.memory_space<hbm>> -> memref<1024xi32, #tpu.memory_space<hbm>>
      %dma_wait3A_115 = arith.constant 1024 : i32
      %dma_wait3A_116 = tpu.memref_slice %arg4[%scan3A_55, %dma_wait3A_115] : memref<16x2048xi32, #tpu.memory_space<hbm>> -> memref<1x1024xi32, #tpu.memory_space<hbm>>
      %dma_wait3A_117 = tpu.memref_squeeze %dma_wait3A_116 : memref<1x1024xi32, #tpu.memory_space<hbm>> -> memref<1024xi32, #tpu.memory_space<hbm>>
      tpu.wait_dma2 semaphore(%arg22 : memref<!tpu.dma_semaphore, #tpu.memory_space<semaphore_mem>>) src(%dma_wait3A_117 : memref<1024xi32, #tpu.memory_space<hbm>>) dst(%arg13 : memref<1024xi32, #tpu.memory_space<vmem>>)
      %parallel_loop3A_118 = arith.constant 0 : i32
      %parallel_loop3A_119 = arith.constant 64 : i32
      %parallel_loop3A_120 = arith.constant 1 : i32
      scf.for %parallel_loop3A_167 = %parallel_loop3A_118 to %parallel_loop3A_119 step %parallel_loop3A_120  : i32 {
        %parallel_loop3A_168 = arith.constant 16 : i32
        %parallel_loop3A_169 = arith.muli %parallel_loop3A_167, %parallel_loop3A_168 : i32
        %parallel_loop3A_170 = arith.index_cast %parallel_loop3A_169 : i32 to index
        %parallel_loop3A_171 = tpu.vector_load %arg13[%parallel_loop3A_170] {strides = array<i32>} : memref<1024xi32, #tpu.memory_space<vmem>>, vector<16xi32>,
        tpu.vector_store_idx %arg18[%parallel_loop3A_171], %broadcast_in_dim3A_5 {add = true} : memref<128xf32, #tpu.memory_space<vmem>>[vector<16xi32>], vector<16xf32>,
      } {sc.loop_unroll_factor = 4 : i64, sc.parallel_access}
      %parallel_loop3A_121 = arith.constant 0 : i32
      %parallel_loop3A_122 = arith.constant 1024 : i32
      %parallel_loop3A_123 = arith.constant 1 : i32
      scf.for %parallel_loop3A_167 = %parallel_loop3A_121 to %parallel_loop3A_122 step %parallel_loop3A_123  : i32 {
        %parallel_loop3A_168 = vector.broadcast %parallel_loop3A_167 : i32 to vector<16xi32>
        %parallel_loop3A_169 = tpu.vector_load_idx %arg13[%parallel_loop3A_168] : memref<1024xi32, #tpu.memory_space<vmem>>[vector<16xi32>], vector<16xi32>,
        %parallel_loop3A_170 = arith.index_cast %parallel_loop3A_167 : i32 to index
        %parallel_loop3A_171 = arith.constant 0 : index
        %parallel_loop3A_172 = tpu.vector_load %arg9[%parallel_loop3A_170, %parallel_loop3A_171] {strides = array<i32>} : memref<1024x16xf32, #tpu.memory_space<vmem>>, vector<16xf32>,
        %parallel_loop3A_173 = arith.index_cast %parallel_loop3A_167 : i32 to index
        %parallel_loop3A_174 = arith.constant 0 : index
        %parallel_loop3A_175 = tpu.vector_load %arg11[%parallel_loop3A_173, %parallel_loop3A_174] {strides = array<i32>} : memref<1024x16xf32, #tpu.memory_space<vmem>>, vector<16xf32>,
        %parallel_loop3A_176 = arith.mulf %parallel_loop3A_172, %parallel_loop3A_175 : vector<16xf32>
        %parallel_loop3A_177 = arith.mulf %parallel_loop3A_176, %parallel_loop3A_175 : vector<16xf32>
        %parallel_loop3A_178 = vector.bitcast %parallel_loop3A_172 : vector<16xf32> to vector<16xi32>
        %parallel_loop3A_179 = arith.constant 23 : i32
        %parallel_loop3A_180 = vector.broadcast %parallel_loop3A_179 : i32 to vector<16xi32>
        %parallel_loop3A_181 = arith.shrui %parallel_loop3A_178, %parallel_loop3A_180 : vector<16xi32>
        %parallel_loop3A_182 = arith.sitofp %parallel_loop3A_181 : vector<16xi32> to vector<16xf32>
        %parallel_loop3A_183 = arith.constant 8388607 : i32
        %parallel_loop3A_184 = vector.broadcast %parallel_loop3A_183 : i32 to vector<16xi32>
        %parallel_loop3A_185 = arith.andi %parallel_loop3A_178, %parallel_loop3A_184 : vector<16xi32>
        %parallel_loop3A_186 = arith.sitofp %parallel_loop3A_185 : vector<16xi32> to vector<16xf32>
        %parallel_loop3A_187 = arith.constant 2.58684354E-22 : f32
        %parallel_loop3A_188 = vector.broadcast %parallel_loop3A_187 : f32 to vector<16xf32>
        %parallel_loop3A_189 = arith.mulf %parallel_loop3A_188, %parallel_loop3A_186 : vector<16xf32>
        %parallel_loop3A_190 = arith.constant -8.0817709E-15 : f32
        %parallel_loop3A_191 = vector.broadcast %parallel_loop3A_190 : f32 to vector<16xf32>
        %parallel_loop3A_192 = arith.addf %parallel_loop3A_189, %parallel_loop3A_191 : vector<16xf32>
        %parallel_loop3A_193 = arith.mulf %parallel_loop3A_192, %parallel_loop3A_186 : vector<16xf32>
        %parallel_loop3A_194 = arith.constant 1.68759016E-7 : f32
        %parallel_loop3A_195 = vector.broadcast %parallel_loop3A_194 : f32 to vector<16xf32>
        %parallel_loop3A_196 = arith.addf %parallel_loop3A_193, %parallel_loop3A_195 : vector<16xf32>
        %parallel_loop3A_197 = arith.mulf %parallel_loop3A_196, %parallel_loop3A_186 : vector<16xf32>
        %parallel_loop3A_198 = arith.constant -126.999176 : f32
        %parallel_loop3A_199 = vector.broadcast %parallel_loop3A_198 : f32 to vector<16xf32>
        %parallel_loop3A_200 = arith.addf %parallel_loop3A_197, %parallel_loop3A_199 : vector<16xf32>
        %parallel_loop3A_201 = arith.addf %parallel_loop3A_200, %parallel_loop3A_182 : vector<16xf32>
        tpu.vector_store_idx %arg14[%parallel_loop3A_169, %iota3A], %parallel_loop3A_172 {add = true} : memref<128x16xf32, #tpu.memory_space<vmem>>[vector<16xi32>, vector<16xi32>], vector<16xf32>,
        tpu.vector_store_idx %arg15[%parallel_loop3A_169, %iota3A], %parallel_loop3A_176 {add = true} : memref<128x16xf32, #tpu.memory_space<vmem>>[vector<16xi32>, vector<16xi32>], vector<16xf32>,
        tpu.vector_store_idx %arg16[%parallel_loop3A_169, %iota3A], %parallel_loop3A_177 {add = true} : memref<128x16xf32, #tpu.memory_space<vmem>>[vector<16xi32>, vector<16xi32>], vector<16xf32>,
        tpu.vector_store_idx %arg17[%parallel_loop3A_169, %iota3A], %parallel_loop3A_201 {add = true} : memref<128x16xf32, #tpu.memory_space<vmem>>[vector<16xi32>, vector<16xi32>], vector<16xf32>,
      } {sc.loop_unroll_factor = 8 : i64, sc.parallel_access}
      %gt3A = arith.constant 0 : i32
      %gt3A_124 = arith.cmpi sgt, %scan3A_55, %gt3A : i32
      %convert_element_type3A_125 = arith.extui %gt3A_124 : i1 to i32
      %cond3A_126 = arith.constant 0 : i32
      %cond3A_127 = arith.cmpi ne, %convert_element_type3A_125, %cond3A_126 : i32
      scf.if %cond3A_127 {
        %sub3A = arith.constant 1 : i32
        %sub3A_167 = arith.subi %scan3A_55, %sub3A : i32
        %dma_wait3A_168 = arith.constant 0 : i32
        %dma_wait3A_169 = tpu.memref_slice %arg5[%sub3A_167, %dma_wait3A_168, %mul3A_2] : memref<16x128x512xf32, #tpu.memory_space<hbm>> -> memref<1x128x16xf32, #tpu.memory_space<hbm>>
        %dma_wait3A_170 = tpu.memref_squeeze %dma_wait3A_169 : memref<1x128x16xf32, #tpu.memory_space<hbm>> -> memref<128x16xf32, #tpu.memory_space<hbm>>
        %dma_wait3A_171 = arith.constant 0 : i32
        %dma_wait3A_172 = tpu.memref_slice %arg5[%sub3A_167, %dma_wait3A_171, %mul3A_2] : memref<16x128x512xf32, #tpu.memory_space<hbm>> -> memref<1x128x16xf32, #tpu.memory_space<hbm>>
        %dma_wait3A_173 = tpu.memref_squeeze %dma_wait3A_172 : memref<1x128x16xf32, #tpu.memory_space<hbm>> -> memref<128x16xf32, #tpu.memory_space<hbm>>
        tpu.wait_dma2 semaphore(%arg23 : memref<!tpu.dma_semaphore, #tpu.memory_space<semaphore_mem>>) src(%arg19 : memref<128x16xf32, #tpu.memory_space<vmem>>) dst(%dma_wait3A_173 : memref<128x16xf32, #tpu.memory_space<hbm>>)
        %sub3A_174 = arith.constant 1 : i32
        %sub3A_175 = arith.subi %scan3A_55, %sub3A_174 : i32
        %dma_wait3A_176 = arith.constant 0 : i32
        %dma_wait3A_177 = tpu.memref_slice %arg7[%add3A, %sub3A_175, %dma_wait3A_176] : memref<32x16x128xf32, #tpu.memory_space<hbm>> -> memref<1x1x128xf32, #tpu.memory_space<hbm>>
        %dma_wait3A_178 = tpu.memref_squeeze %dma_wait3A_177 : memref<1x1x128xf32, #tpu.memory_space<hbm>> -> memref<128xf32, #tpu.memory_space<hbm>>
        %dma_wait3A_179 = arith.constant 0 : i32
        %dma_wait3A_180 = tpu.memref_slice %arg7[%add3A, %sub3A_175, %dma_wait3A_179] : memref<32x16x128xf32, #tpu.memory_space<hbm>> -> memref<1x1x128xf32, #tpu.memory_space<hbm>>
        %dma_wait3A_181 = tpu.memref_squeeze %dma_wait3A_180 : memref<1x1x128xf32, #tpu.memory_space<hbm>> -> memref<128xf32, #tpu.memory_space<hbm>>
        tpu.wait_dma2 semaphore(%arg23 : memref<!tpu.dma_semaphore, #tpu.memory_space<semaphore_mem>>) src(%arg20 : memref<128xf32, #tpu.memory_space<vmem>>) dst(%dma_wait3A_181 : memref<128xf32, #tpu.memory_space<hbm>>)
      } else {
      }
      %parallel_loop3A_128 = arith.constant 0 : i32
      %parallel_loop3A_129 = arith.constant 8 : i32
      %parallel_loop3A_130 = arith.constant 1 : i32
      scf.for %parallel_loop3A_167 = %parallel_loop3A_128 to %parallel_loop3A_129 step %parallel_loop3A_130  : i32 {
        %parallel_loop3A_168 = arith.constant 16 : i32
        %parallel_loop3A_169 = arith.muli %parallel_loop3A_167, %parallel_loop3A_168 : i32
        %parallel_loop3A_170 = arith.index_cast %parallel_loop3A_169 : i32 to index
        %parallel_loop3A_171 = tpu.vector_load %arg20[%parallel_loop3A_170] {strides = array<i32>} : memref<128xf32, #tpu.memory_space<vmem>>, vector<16xf32>,
        tpu.vector_store %arg20[%parallel_loop3A_170], %broadcast_in_dim3A_3 {strides = array<i32>} : memref<128xf32, #tpu.memory_space<vmem>>, vector<16xf32>,
      } {sc.loop_unroll_factor = 2 : i64, sc.parallel_access}
      %parallel_loop3A_131 = arith.constant 0 : i32
      %parallel_loop3A_132 = arith.constant 128 : i32
      %parallel_loop3A_133 = arith.constant 1 : i32
      scf.for %parallel_loop3A_167 = %parallel_loop3A_131 to %parallel_loop3A_132 step %parallel_loop3A_133  : i32 {
        %parallel_loop3A_168 = arith.index_cast %parallel_loop3A_167 : i32 to index
        %parallel_loop3A_169 = arith.constant 0 : index
        %parallel_loop3A_170 = tpu.vector_load %arg14[%parallel_loop3A_168, %parallel_loop3A_169] {strides = array<i32>} : memref<128x16xf32, #tpu.memory_space<vmem>>, vector<16xf32>,
        %parallel_loop3A_171 = arith.index_cast %parallel_loop3A_167 : i32 to index
        %parallel_loop3A_172 = arith.constant 0 : index
        %parallel_loop3A_173 = tpu.vector_load %arg15[%parallel_loop3A_171, %parallel_loop3A_172] {strides = array<i32>} : memref<128x16xf32, #tpu.memory_space<vmem>>, vector<16xf32>,
        %parallel_loop3A_174 = arith.index_cast %parallel_loop3A_167 : i32 to index
        %parallel_loop3A_175 = arith.constant 0 : index
        %parallel_loop3A_176 = tpu.vector_load %arg16[%parallel_loop3A_174, %parallel_loop3A_175] {strides = array<i32>} : memref<128x16xf32, #tpu.memory_space<vmem>>, vector<16xf32>,
        %parallel_loop3A_177 = arith.index_cast %parallel_loop3A_167 : i32 to index
        %parallel_loop3A_178 = arith.constant 0 : index
        %parallel_loop3A_179 = tpu.vector_load %arg17[%parallel_loop3A_177, %parallel_loop3A_178] {strides = array<i32>} : memref<128x16xf32, #tpu.memory_space<vmem>>, vector<16xf32>,
        %parallel_loop3A_180 = vector.broadcast %parallel_loop3A_167 : i32 to vector<16xi32>
        %parallel_loop3A_181 = tpu.vector_load_idx %arg18[%parallel_loop3A_180] : memref<128xf32, #tpu.memory_space<vmem>>[vector<16xi32>], vector<16xf32>,
        %parallel_loop3A_182 = arith.divf %parallel_loop3A_173, %parallel_loop3A_170 : vector<16xf32>
        %parallel_loop3A_183 = arith.index_cast %parallel_loop3A_167 : i32 to index
        %parallel_loop3A_184 = arith.constant 0 : index
        %parallel_loop3A_185 = tpu.vector_load %arg19[%parallel_loop3A_183, %parallel_loop3A_184] {strides = array<i32>} : memref<128x16xf32, #tpu.memory_space<vmem>>, vector<16xf32>,
        tpu.vector_store %arg19[%parallel_loop3A_183, %parallel_loop3A_184], %parallel_loop3A_182 {strides = array<i32>} : memref<128x16xf32, #tpu.memory_space<vmem>>, vector<16xf32>,
        %parallel_loop3A_186 = vector.bitcast %parallel_loop3A_170 : vector<16xf32> to vector<16xi32>
        %parallel_loop3A_187 = arith.constant 23 : i32
        %parallel_loop3A_188 = vector.broadcast %parallel_loop3A_187 : i32 to vector<16xi32>
        %parallel_loop3A_189 = arith.shrui %parallel_loop3A_186, %parallel_loop3A_188 : vector<16xi32>
        %parallel_loop3A_190 = arith.sitofp %parallel_loop3A_189 : vector<16xi32> to vector<16xf32>
        %parallel_loop3A_191 = arith.constant 8388607 : i32
        %parallel_loop3A_192 = vector.broadcast %parallel_loop3A_191 : i32 to vector<16xi32>
        %parallel_loop3A_193 = arith.andi %parallel_loop3A_186, %parallel_loop3A_192 : vector<16xi32>
        %parallel_loop3A_194 = arith.constant 1065353216 : i32
        %parallel_loop3A_195 = vector.broadcast %parallel_loop3A_194 : i32 to vector<16xi32>
        %parallel_loop3A_196 = arith.ori %parallel_loop3A_193, %parallel_loop3A_195 : vector<16xi32>
        %parallel_loop3A_197 = vector.bitcast %parallel_loop3A_196 : vector<16xi32> to vector<16xf32>
        %parallel_loop3A_198 = arith.constant 1.000000e+00 : f32
        %parallel_loop3A_199 = vector.broadcast %parallel_loop3A_198 : f32 to vector<16xf32>
        %parallel_loop3A_200 = arith.subf %parallel_loop3A_197, %parallel_loop3A_199 : vector<16xf32>
        %parallel_loop3A_201 = arith.constant -0.0245685354 : f32
        %parallel_loop3A_202 = vector.broadcast %parallel_loop3A_201 : f32 to vector<16xf32>
        %parallel_loop3A_203 = arith.mulf %parallel_loop3A_202, %parallel_loop3A_200 : vector<16xf32>
        %parallel_loop3A_204 = arith.constant 0.117613085 : f32
        %parallel_loop3A_205 = vector.broadcast %parallel_loop3A_204 : f32 to vector<16xf32>
        %parallel_loop3A_206 = arith.addf %parallel_loop3A_203, %parallel_loop3A_205 : vector<16xf32>
        %parallel_loop3A_207 = arith.mulf %parallel_loop3A_206, %parallel_loop3A_200 : vector<16xf32>
        %parallel_loop3A_208 = arith.constant -0.272697568 : f32
        %parallel_loop3A_209 = vector.broadcast %parallel_loop3A_208 : f32 to vector<16xf32>
        %parallel_loop3A_210 = arith.addf %parallel_loop3A_207, %parallel_loop3A_209 : vector<16xf32>
        %parallel_loop3A_211 = arith.mulf %parallel_loop3A_210, %parallel_loop3A_200 : vector<16xf32>
        %parallel_loop3A_212 = arith.constant 0.454508483 : f32
        %parallel_loop3A_213 = vector.broadcast %parallel_loop3A_212 : f32 to vector<16xf32>
        %parallel_loop3A_214 = arith.addf %parallel_loop3A_211, %parallel_loop3A_213 : vector<16xf32>
        %parallel_loop3A_215 = arith.mulf %parallel_loop3A_214, %parallel_loop3A_200 : vector<16xf32>
        %parallel_loop3A_216 = arith.constant -0.717312753 : f32
        %parallel_loop3A_217 = vector.broadcast %parallel_loop3A_216 : f32 to vector<16xf32>
        %parallel_loop3A_218 = arith.addf %parallel_loop3A_215, %parallel_loop3A_217 : vector<16xf32>
        %parallel_loop3A_219 = arith.mulf %parallel_loop3A_218, %parallel_loop3A_200 : vector<16xf32>
        %parallel_loop3A_220 = arith.constant 1.4424535 : f32
        %parallel_loop3A_221 = vector.broadcast %parallel_loop3A_220 : f32 to vector<16xf32>
        %parallel_loop3A_222 = arith.addf %parallel_loop3A_219, %parallel_loop3A_221 : vector<16xf32>
        %parallel_loop3A_223 = arith.mulf %parallel_loop3A_222, %parallel_loop3A_200 : vector<16xf32>
        %parallel_loop3A_224 = arith.constant 2.44343869E-6 : f32
        %parallel_loop3A_225 = vector.broadcast %parallel_loop3A_224 : f32 to vector<16xf32>
        %parallel_loop3A_226 = arith.addf %parallel_loop3A_223, %parallel_loop3A_225 : vector<16xf32>
        %parallel_loop3A_227 = arith.constant 1.270000e+02 : f32
        %parallel_loop3A_228 = vector.broadcast %parallel_loop3A_227 : f32 to vector<16xf32>
        %parallel_loop3A_229 = arith.subf %parallel_loop3A_190, %parallel_loop3A_228 : vector<16xf32>
        %parallel_loop3A_230 = arith.addf %parallel_loop3A_226, %parallel_loop3A_229 : vector<16xf32>
        %parallel_loop3A_231 = arith.maximumf %parallel_loop3A_181, %broadcast_in_dim3A_5 : vector<16xf32>
        %parallel_loop3A_232 = arith.constant 1.000000e+00 : f32
        %parallel_loop3A_233 = vector.broadcast %parallel_loop3A_232 : f32 to vector<16xf32>
        %parallel_loop3A_234 = arith.subf %parallel_loop3A_233, %parallel_loop3A_231 : vector<16xf32>
        %parallel_loop3A_235 = arith.constant 1.83787704 : f32
        %parallel_loop3A_236 = vector.broadcast %parallel_loop3A_235 : f32 to vector<16xf32>
        %parallel_loop3A_237 = arith.mulf %parallel_loop3A_234, %parallel_loop3A_236 : vector<16xf32>
        %parallel_loop3A_238 = arith.subf %parallel_loop3A_179, %parallel_loop3A_230 : vector<16xf32>
        %parallel_loop3A_239 = arith.constant 0.693147182 : f32
        %parallel_loop3A_240 = vector.broadcast %parallel_loop3A_239 : f32 to vector<16xf32>
        %parallel_loop3A_241 = arith.mulf %parallel_loop3A_240, %parallel_loop3A_238 : vector<16xf32>
        %parallel_loop3A_242 = arith.addf %parallel_loop3A_237, %parallel_loop3A_241 : vector<16xf32>
        %parallel_loop3A_243 = arith.mulf %parallel_loop3A_170, %parallel_loop3A_182 : vector<16xf32>
        %parallel_loop3A_244 = arith.mulf %parallel_loop3A_243, %parallel_loop3A_182 : vector<16xf32>
        %parallel_loop3A_245 = arith.subf %parallel_loop3A_244, %parallel_loop3A_176 : vector<16xf32>
        %parallel_loop3A_246 = arith.addf %parallel_loop3A_242, %parallel_loop3A_245 : vector<16xf32>
        %parallel_loop3A_247 = arith.constant 5.000000e-01 : f32
        %parallel_loop3A_248 = vector.broadcast %parallel_loop3A_247 : f32 to vector<16xf32>
        %parallel_loop3A_249 = arith.mulf %parallel_loop3A_248, %parallel_loop3A_246 : vector<16xf32>
        %parallel_loop3A_250 = vector.broadcast %parallel_loop3A_167 : i32 to vector<16xi32>
        tpu.vector_store_idx %arg20[%parallel_loop3A_250], %parallel_loop3A_249 {add = true} : memref<128xf32, #tpu.memory_space<vmem>>[vector<16xi32>], vector<16xf32>,
      } {sc.loop_unroll_factor = 4 : i64, sc.parallel_access}
      %dma_start3A_134 = arith.constant 0 : i32
      %dma_start3A_135 = tpu.memref_slice %arg6[%scan3A_55, %dma_start3A_134, %mul3A_2] : memref<16x128x512xf32, #tpu.memory_space<hbm>> -> memref<1x128x16xf32, #tpu.memory_space<hbm>>
      %dma_start3A_136 = tpu.memref_squeeze %dma_start3A_135 : memref<1x128x16xf32, #tpu.memory_space<hbm>> -> memref<128x16xf32, #tpu.memory_space<hbm>>
      %dma_start3A_137 = arith.constant 0 : i32
      %dma_start3A_138 = tpu.memref_slice %arg6[%scan3A_55, %dma_start3A_137, %mul3A_2] : memref<16x128x512xf32, #tpu.memory_space<hbm>> -> memref<1x128x16xf32, #tpu.memory_space<hbm>>
      %dma_start3A_139 = tpu.memref_squeeze %dma_start3A_138 : memref<1x128x16xf32, #tpu.memory_space<hbm>> -> memref<128x16xf32, #tpu.memory_space<hbm>>
      tpu.enqueue_dma source(%arg14 : memref<128x16xf32, #tpu.memory_space<vmem>>) target(%dma_start3A_139 : memref<128x16xf32, #tpu.memory_space<hbm>>) target_semaphore(%arg23 : memref<!tpu.dma_semaphore, #tpu.memory_space<semaphore_mem>>)
      %dma_start3A_140 = arith.constant 0 : i32
      %dma_start3A_141 = tpu.memref_slice %arg5[%scan3A_55, %dma_start3A_140, %mul3A_2] : memref<16x128x512xf32, #tpu.memory_space<hbm>> -> memref<1x128x16xf32, #tpu.memory_space<hbm>>
      %dma_start3A_142 = tpu.memref_squeeze %dma_start3A_141 : memref<1x128x16xf32, #tpu.memory_space<hbm>> -> memref<128x16xf32, #tpu.memory_space<hbm>>
      %dma_start3A_143 = arith.constant 0 : i32
      %dma_start3A_144 = tpu.memref_slice %arg5[%scan3A_55, %dma_start3A_143, %mul3A_2] : memref<16x128x512xf32, #tpu.memory_space<hbm>> -> memref<1x128x16xf32, #tpu.memory_space<hbm>>
      %dma_start3A_145 = tpu.memref_squeeze %dma_start3A_144 : memref<1x128x16xf32, #tpu.memory_space<hbm>> -> memref<128x16xf32, #tpu.memory_space<hbm>>
      tpu.enqueue_dma source(%arg19 : memref<128x16xf32, #tpu.memory_space<vmem>>) target(%dma_start3A_145 : memref<128x16xf32, #tpu.memory_space<hbm>>) target_semaphore(%arg23 : memref<!tpu.dma_semaphore, #tpu.memory_space<semaphore_mem>>)
      %dma_start3A_146 = arith.constant 0 : i32
      %dma_start3A_147 = tpu.memref_slice %arg7[%add3A, %scan3A_55, %dma_start3A_146] : memref<32x16x128xf32, #tpu.memory_space<hbm>> -> memref<1x1x128xf32, #tpu.memory_space<hbm>>
      %dma_start3A_148 = tpu.memref_squeeze %dma_start3A_147 : memref<1x1x128xf32, #tpu.memory_space<hbm>> -> memref<128xf32, #tpu.memory_space<hbm>>
      %dma_start3A_149 = arith.constant 0 : i32
      %dma_start3A_150 = tpu.memref_slice %arg7[%add3A, %scan3A_55, %dma_start3A_149] : memref<32x16x128xf32, #tpu.memory_space<hbm>> -> memref<1x1x128xf32, #tpu.memory_space<hbm>>
      %dma_start3A_151 = tpu.memref_squeeze %dma_start3A_150 : memref<1x1x128xf32, #tpu.memory_space<hbm>> -> memref<128xf32, #tpu.memory_space<hbm>>
      tpu.enqueue_dma source(%arg20 : memref<128xf32, #tpu.memory_space<vmem>>) target(%dma_start3A_151 : memref<128xf32, #tpu.memory_space<hbm>>) target_semaphore(%arg23 : memref<!tpu.dma_semaphore, #tpu.memory_space<semaphore_mem>>)
      %parallel_loop3A_152 = arith.constant 0 : i32
      %parallel_loop3A_153 = arith.constant 128 : i32
      %parallel_loop3A_154 = arith.constant 1 : i32
      scf.for %parallel_loop3A_167 = %parallel_loop3A_152 to %parallel_loop3A_153 step %parallel_loop3A_154  : i32 {
        %parallel_loop3A_168 = arith.index_cast %parallel_loop3A_167 : i32 to index
        %parallel_loop3A_169 = arith.constant 0 : index
        %parallel_loop3A_170 = tpu.vector_load %arg15[%parallel_loop3A_168, %parallel_loop3A_169] {strides = array<i32>} : memref<128x16xf32, #tpu.memory_space<vmem>>, vector<16xf32>,
        tpu.vector_store %arg15[%parallel_loop3A_168, %parallel_loop3A_169], %broadcast_in_dim3A_3 {strides = array<i32>} : memref<128x16xf32, #tpu.memory_space<vmem>>, vector<16xf32>,
        %parallel_loop3A_171 = arith.index_cast %parallel_loop3A_167 : i32 to index
        %parallel_loop3A_172 = arith.constant 0 : index
        %parallel_loop3A_173 = tpu.vector_load %arg16[%parallel_loop3A_171, %parallel_loop3A_172] {strides = array<i32>} : memref<128x16xf32, #tpu.memory_space<vmem>>, vector<16xf32>,
        tpu.vector_store %arg16[%parallel_loop3A_171, %parallel_loop3A_172], %broadcast_in_dim3A_3 {strides = array<i32>} : memref<128x16xf32, #tpu.memory_space<vmem>>, vector<16xf32>,
        %parallel_loop3A_174 = arith.index_cast %parallel_loop3A_167 : i32 to index
        %parallel_loop3A_175 = arith.constant 0 : index
        %parallel_loop3A_176 = tpu.vector_load %arg17[%parallel_loop3A_174, %parallel_loop3A_175] {strides = array<i32>} : memref<128x16xf32, #tpu.memory_space<vmem>>, vector<16xf32>,
        tpu.vector_store %arg17[%parallel_loop3A_174, %parallel_loop3A_175], %broadcast_in_dim3A_3 {strides = array<i32>} : memref<128x16xf32, #tpu.memory_space<vmem>>, vector<16xf32>,
      } {sc.loop_unroll_factor = 4 : i64, sc.parallel_access}
      %parallel_loop3A_155 = arith.constant 0 : i32
      %parallel_loop3A_156 = arith.constant 8 : i32
      %parallel_loop3A_157 = arith.constant 1 : i32
      scf.for %parallel_loop3A_167 = %parallel_loop3A_155 to %parallel_loop3A_156 step %parallel_loop3A_157  : i32 {
        %parallel_loop3A_168 = arith.constant 16 : i32
        %parallel_loop3A_169 = arith.muli %parallel_loop3A_167, %parallel_loop3A_168 : i32
        %parallel_loop3A_170 = arith.index_cast %parallel_loop3A_169 : i32 to index
        %parallel_loop3A_171 = tpu.vector_load %arg18[%parallel_loop3A_170] {strides = array<i32>} : memref<128xf32, #tpu.memory_space<vmem>>, vector<16xf32>,
        tpu.vector_store %arg18[%parallel_loop3A_170], %broadcast_in_dim3A_3 {strides = array<i32>} : memref<128xf32, #tpu.memory_space<vmem>>, vector<16xf32>,
      } {sc.loop_unroll_factor = 2 : i64, sc.parallel_access}
      %dma_wait3A_158 = arith.constant 0 : i32
      %dma_wait3A_159 = tpu.memref_slice %arg6[%scan3A_55, %dma_wait3A_158, %mul3A_2] : memref<16x128x512xf32, #tpu.memory_space<hbm>> -> memref<1x128x16xf32, #tpu.memory_space<hbm>>
      %dma_wait3A_160 = tpu.memref_squeeze %dma_wait3A_159 : memref<1x128x16xf32, #tpu.memory_space<hbm>> -> memref<128x16xf32, #tpu.memory_space<hbm>>
      %dma_wait3A_161 = arith.constant 0 : i32
      %dma_wait3A_162 = tpu.memref_slice %arg6[%scan3A_55, %dma_wait3A_161, %mul3A_2] : memref<16x128x512xf32, #tpu.memory_space<hbm>> -> memref<1x128x16xf32, #tpu.memory_space<hbm>>
      %dma_wait3A_163 = tpu.memref_squeeze %dma_wait3A_162 : memref<1x128x16xf32, #tpu.memory_space<hbm>> -> memref<128x16xf32, #tpu.memory_space<hbm>>
      tpu.wait_dma2 semaphore(%arg23 : memref<!tpu.dma_semaphore, #tpu.memory_space<semaphore_mem>>) src(%arg14 : memref<128x16xf32, #tpu.memory_space<vmem>>) dst(%dma_wait3A_163 : memref<128x16xf32, #tpu.memory_space<hbm>>)
      %parallel_loop3A_164 = arith.constant 0 : i32
      %parallel_loop3A_165 = arith.constant 128 : i32
      %parallel_loop3A_166 = arith.constant 1 : i32
      scf.for %parallel_loop3A_167 = %parallel_loop3A_164 to %parallel_loop3A_165 step %parallel_loop3A_166  : i32 {
        %parallel_loop3A_168 = arith.index_cast %parallel_loop3A_167 : i32 to index
        %parallel_loop3A_169 = arith.constant 0 : index
        %parallel_loop3A_170 = tpu.vector_load %arg14[%parallel_loop3A_168, %parallel_loop3A_169] {strides = array<i32>} : memref<128x16xf32, #tpu.memory_space<vmem>>, vector<16xf32>,
        tpu.vector_store %arg14[%parallel_loop3A_168, %parallel_loop3A_169], %broadcast_in_dim3A_3 {strides = array<i32>} : memref<128x16xf32, #tpu.memory_space<vmem>>, vector<16xf32>,
      } {sc.loop_unroll_factor = 4 : i64, sc.parallel_access}
    }
    %scan3A_41 = arith.constant 16 : i32
    %dma_wait3A = arith.constant 15 : i32
    %dma_wait3A_42 = arith.constant 0 : i32
    %dma_wait3A_43 = tpu.memref_slice %arg5[%dma_wait3A, %dma_wait3A_42, %mul3A_2] : memref<16x128x512xf32, #tpu.memory_space<hbm>> -> memref<1x128x16xf32, #tpu.memory_space<hbm>>
    %dma_wait3A_44 = tpu.memref_squeeze %dma_wait3A_43 : memref<1x128x16xf32, #tpu.memory_space<hbm>> -> memref<128x16xf32, #tpu.memory_space<hbm>>
    %dma_wait3A_45 = arith.constant 0 : i32
    %dma_wait3A_46 = tpu.memref_slice %arg5[%dma_wait3A, %dma_wait3A_45, %mul3A_2] : memref<16x128x512xf32, #tpu.memory_space<hbm>> -> memref<1x128x16xf32, #tpu.memory_space<hbm>>
    %dma_wait3A_47 = tpu.memref_squeeze %dma_wait3A_46 : memref<1x128x16xf32, #tpu.memory_space<hbm>> -> memref<128x16xf32, #tpu.memory_space<hbm>>
    tpu.wait_dma2 semaphore(%arg23 : memref<!tpu.dma_semaphore, #tpu.memory_space<semaphore_mem>>) src(%arg19 : memref<128x16xf32, #tpu.memory_space<vmem>>) dst(%dma_wait3A_47 : memref<128x16xf32, #tpu.memory_space<hbm>>)
    %dma_wait3A_48 = arith.constant 15 : i32
    %dma_wait3A_49 = arith.constant 0 : i32
    %dma_wait3A_50 = tpu.memref_slice %arg7[%add3A, %dma_wait3A_48, %dma_wait3A_49] : memref<32x16x128xf32, #tpu.memory_space<hbm>> -> memref<1x1x128xf32, #tpu.memory_space<hbm>>
    %dma_wait3A_51 = tpu.memref_squeeze %dma_wait3A_50 : memref<1x1x128xf32, #tpu.memory_space<hbm>> -> memref<128xf32, #tpu.memory_space<hbm>>
    %dma_wait3A_52 = arith.constant 0 : i32
    %dma_wait3A_53 = tpu.memref_slice %arg7[%add3A, %dma_wait3A_48, %dma_wait3A_52] : memref<32x16x128xf32, #tpu.memory_space<hbm>> -> memref<1x1x128xf32, #tpu.memory_space<hbm>>
    %dma_wait3A_54 = tpu.memref_squeeze %dma_wait3A_53 : memref<1x1x128xf32, #tpu.memory_space<hbm>> -> memref<128xf32, #tpu.memory_space<hbm>>
    tpu.wait_dma2 semaphore(%arg23 : memref<!tpu.dma_semaphore, #tpu.memory_space<semaphore_mem>>) src(%arg20 : memref<128xf32, #tpu.memory_space<vmem>>) dst(%dma_wait3A_54 : memref<128xf32, #tpu.memory_space<hbm>>)
    return
  }
}

</mosaic_0001>

<sc_bundles>
// kernel: kernel.3.cloned.1.call-start
scs
__scs_entry_jumppad:
0x0: {  	(pc) =	sbr.rel $0x88, $3  }
0x1: {  	(tag) =	ssettag $0x0;
	lr =	simm.s32 $0x1  }
0x2: {  	[smem:$0x3F9E] =	sst lr;
	_ =	strace $0xD0000000  }
0x3: {  	_ = 	snop  }
0x4: {  	_ = 	snop  }
0x5: {  	_ = 	snop  }
0x6: {  	_ = 	snop  }
0x7: {  	_ = 	snop  }
__scs_overlays_trampoline_lowered:
0x8: {  	[smem:$0x3FAD] =	sst s0  }
0x9: {  	[smem:$0x3FAE] =	sst s1  }
0xa: {  	[smem:$0x3FAF] =	sst s2  }
0xb: {  	[smem:$0x3FB0] =	sst s3  }
0xc: {  	[smem:$0x3FB1] =	sst s4  }
0xd: {  	[smem:$0x3FB2] =	sst s5  }
0xe: {  	[smem:$0x3FB3] =	sst s6  }
0xf: {  	[smem:$0x3FB4] =	sst s7  }
0x10: {  	[smem:$0x3FB5] =	sst s8  }
0x11: {  	[smem:$0x3FB6] =	sst s9;
	s0 =	simm.s32 @!p0 $0x0  }
0x12: {  	s1 =	sld [smem:$0x3F9C];
	s0 =	simm.s32 @p0 $0x1  }
0x13: {  	[smem:$0x3FB7] =	sst s0;
	s0 =	simm.s32 @!p1 $0x0  }
0x14: {  	s2 =	sld [smem:$0x3F9B];
	s0 =	simm.s32 @p1 $0x1  }
0x15: {  	[smem:$0x3FB8] =	sst s0;
	s0 =	simm.s32 @!p2 $0x0  }
0x16: {  	s3 =	sld [smem:$0x3FDB];
	s0 =	simm.s32 @p2 $0x1  }
0x17: {  	s4 =	simm.s32 $0x1BF5;
	[smem:$0x3FBA] =	sst s0  }
0x18: {  	s0 =	sld [smem:$0x3F9D];
	_ =	swait.ge [sflag:s4], $0x0  }
0x19: {  	s7 =	sld [smem:$0x3F9E]  }
0x1a: {  	s8 =	sadd.s32 $0xFFFFE003, lr  }
0x1b: {  	s9 =	sadd.s32 $0xFFFFFEF7, lr;
	s5 =	simm.s32 $0xFFFFFFFF;
	p2 =	slt.u32 s8, $0xFFFFF086  }
0x1c: {  	p1 =	slt.u32 s9, $0xF7A;
	s5 =	simm.s32 @!p2 $0x0  }
0x1d: {  	s5 =	simm.s32 @p1 $0x1;
	p0 =	seq.s32 s7, s2  }
0x1e: {  	s7 =	smul.u32 @!p0 $0xF7A, s2;
	p2 =	seq.s32 @!p0 s5, $0x0  }
0x1f: {  	s9 =	smul.u32 $0xF7A, s1;
	s8 =	simm.s32 @!p0 $0x1BF5;
	p2 =	por !p2, p0  }
0x20: {  	[sflag:s8] =	ssyncset.s32 @!p0 $0xFFFFF086;
	s6 =	sadd.s32 @!p0 s3, s7;
	s7 =	simm.s32 @!p0 $0x108  }
0x21: {  	s3 =	sadd.s32 s3, s9;
	s6 =	sadd.s32 @!p0 $0x88, s6;
	s7 =	simm.s32 @p2 $0x1082  }
0x22: {  	[simem:s7], [sflag:s8] =	dma.local @!p0 [hbm:s6], $0xF7A  }
0x23: {  	s9 =	sor.u32 $0xD0000000, s2;
	s6 =	simm.s32 $0x108;
	_ =	swait.ge @!p0 [sflag:s8], $0x0  }
0x24: {  	s3 =	sadd.s32 $0x88, s3;
	s6 =	simm.s32 @!p1 $0x1082;
	[sflag:s4] =	ssyncset.s32 $0xFFFFF086  }
0x25: {  	[simem:s6], [sflag:s4] =	dma.local [hbm:s3], $0xF7A  }
0x26: {  	[smem:$0x3F9E] =	sst s1;
	(tag) =	ssettag s2;
	_ =	strace s9  }
0x27: {  	s1 =	sld [smem:$0x3FAE]  }
0x28: {  	s2 =	sld [smem:$0x3FAF]  }
0x29: {  	s4 =	sld [smem:$0x3FB1]  }
0x2a: {  	p0 =	seq.s32 s5, $0x0;
	s5 =	sld [smem:$0x3FB2]  }
0x2b: {  	s6 =	sld [smem:$0x3FB3]  }
0x2c: {  	s7 =	sld [smem:$0x3FB4]  }
0x2d: {  	s3 =	simm.s32 $0x108;
	s8 =	sld [smem:$0x3FB5]  }
0x2e: {  	s3 =	simm.s32 @!p0 $0x1082;
	s9 =	sld [smem:$0x3FB6]  }
0x2f: {  	lr =	sadd.s32 s0, s3;
	s0 =	sld [smem:$0x3FAD]  }
0x30: {  	s3 =	sld [smem:$0x3FB0]  }
0x31: {  	[smem:$0x3FB9] =	sst s10  }
0x32: {  	s10 =	sld [smem:$0x3FB7];
	_ =	sdelay $0x3  }
0x33: {  	p0 =	seq.s32 s10, $0x1;
	s10 =	sld [smem:$0x3FB9];
	_ =	sdelay $0x3  }
0x34: {  	[smem:$0x3FB9] =	sst s10  }
0x35: {  	s10 =	sld [smem:$0x3FB8];
	_ =	sdelay $0x3  }
0x36: {  	p1 =	seq.s32 s10, $0x1;
	s10 =	sld [smem:$0x3FB9];
	_ =	sdelay $0x3  }
0x37: {  	[smem:$0x3FB9] =	sst s10  }
0x38: {  	s10 =	sld [smem:$0x3FBA]  }
0x39: {  	_ = 	snop;
	(pc) =	sbr.ind lr, $3  }
0x3a: {  	_ = 	snop  }
0x3b: {  	_ = 	snop  }
0x3c: {  	p2 =	seq.s32 s10, $0x1;
	s10 =	sld [smem:$0x3FB9]  }
0x3d: {  	_ =	shalt  }
0x3e: {  	_ =	shalt  }
0x3f: {  	_ =	shalt  }
0x40: {  	_ =	shalt  }
0x41: {  	_ =	shalt  }
0x42: {  	_ =	shalt  }
0x43: {  	_ =	shalt  }
0x44: {  	_ =	shalt  }
0x45: {  	_ =	shalt  }
0x46: {  	_ =	shalt  }
0x47: {  	_ =	shalt  }
0x48: {  	_ =	shalt  }
0x49: {  	_ =	shalt  }
0x4a: {  	_ =	shalt  }
0x4b: {  	_ =	shalt  }
0x4c: {  	_ =	shalt  }
0x4d: {  	_ =	shalt  }
0x4e: {  	_ =	shalt  }
0x4f: {  	_ =	shalt  }
0x50: {  	_ =	shalt  }
0x51: {  	_ =	shalt  }
0x52: {  	_ =	shalt  }
0x53: {  	_ =	shalt  }
0x54: {  	_ =	shalt  }
0x55: {  	_ =	shalt  }
0x56: {  	_ =	shalt  }
0x57: {  	_ =	shalt  }
0x58: {  	_ =	shalt  }
0x59: {  	_ =	shalt  }
0x5a: {  	_ =	shalt  }
0x5b: {  	_ =	shalt  }
0x5c: {  	_ =	shalt  }
0x5d: {  	_ =	shalt  }
0x5e: {  	_ =	shalt  }
0x5f: {  	_ =	shalt  }
0x60: {  	_ =	shalt  }
0x61: {  	_ =	shalt  }
0x62: {  	_ =	shalt  }
0x63: {  	_ =	shalt  }
0x64: {  	_ =	shalt  }
0x65: {  	_ =	shalt  }
0x66: {  	_ =	shalt  }
0x67: {  	_ =	shalt  }
0x68: {  	_ =	shalt  }
0x69: {  	_ =	shalt  }
0x6a: {  	_ =	shalt  }
0x6b: {  	_ =	shalt  }
0x6c: {  	_ =	shalt  }
0x6d: {  	_ =	shalt  }
0x6e: {  	_ =	shalt  }
0x6f: {  	_ =	shalt  }
0x70: {  	_ =	shalt  }
0x71: {  	_ =	shalt  }
0x72: {  	_ =	shalt  }
0x73: {  	_ =	shalt  }
0x74: {  	_ =	shalt  }
0x75: {  	_ =	shalt  }
0x76: {  	_ =	shalt  }
0x77: {  	_ =	shalt  }
0x78: {  	_ =	shalt  }
0x79: {  	_ =	shalt  }
0x7a: {  	_ =	shalt  }
0x7b: {  	_ =	shalt  }
0x7c: {  	_ =	shalt  }
0x7d: {  	_ =	shalt  }
0x7e: {  	_ =	shalt  }
0x7f: {  	_ =	shalt  }
0x80: {  	_ =	shalt  }
0x81: {  	_ =	shalt  }
0x82: {  	_ =	shalt  }
0x83: {  	_ =	shalt  }
0x84: {  	_ =	shalt  }
0x85: {  	_ =	shalt  }
0x86: {  	_ =	shalt  }
0x87: {  	_ =	shalt  }
.Lfunc_end0:
.L_simem_size_0:
called_computation.2_lowered:
.L_overlay_start_0:
0x88: {  	s2 =	sld [smem:$0x3FD9]  }
0x89: {  	s3 =	sld [smem:$0x3FFE];
	_ =	sdelay $0x1  }
0x8a: {  	s1 =	srdreg.scid  }
0x8b: {  	s0 =	sand.u32 $0x1, s1  }
0x8c: {  	s14 =	sshll.u32 s0, $0xA;
	s2 =	sadd.s32 s3, s2  }
0x8d: {  	s2 =	sadd.s32 s2, s14  }
0x8e: {  	[smem:$0x3FC5] =	sst s2  }
0x8f: {  	_ = 	snop  }
0x90: {  	s2 =	sld [smem:$0x3FD0];
	_ =	sdelay $0x2  }
0x91: {  	s15 =	simm.s32 $0xB;
	s4 =	simm.s32 $0x10  }
0x92: {  	[smem:s4], [sflag:s15] =	dma.local [hbm:s2], $0x1  }
0x93: {  	_ =	swait.eq [sflag:s15], $0x1  }
0x94: {  	[sflag:s15] =	ssyncset.done $0x0  }
0x95: {  	s16 =	sld [smem:$0x10];
	[sflag:s15] =	ssyncadd.s32 $0xFFFFFFFF  }
0x96: {  	s17 =	sld [smem:$0x11];
	(tm) =	ssettm $0x1  }
0x97: {  	s18 =	sld [smem:$0x3FFB];
	_ =	sdelay $0x3  }
0x98: {  	_ =	strace s18  }
0x99: {  	s4 =	sld [smem:$0x3FFC];
	_ =	sdelay $0x3  }
0x9a: {  	_ =	strace s4  }
0x9b: {  	s4 =	sld [smem:$0x3FFD];
	_ =	sdelay $0x3  }
0x9c: {  	_ =	strace s4  }
0x9d: {  	_ =	strace $0x8FFFFFFF  }
0x9e: {  	s19 =	sld [smem:$0x3FDB];
	_ =	sdelay $0x1  }
0x9f: {  	s5 =	simm.s32 $_scs_section_size  }
0xa0: {  	s6 =	simm.s32 $_size__tile_overlayer_lowered;
	s7 =	simm.s32 $_tile_overlayer_lowered  }
0xa1: {  	s22 =	simm.s32 $0x1BFF;
	s21 =	sshll.u32 s7, $0x1;
	s4 =	sadd.s32 s5, s19  }
0xa2: {  	s8 =	simm.s32 $0x0;
	s20 =	sshll.u32 s6, $0x1;
	s6 =	sadd.s32 s21, s4  }
0xa3: {  	[timem:s8], [sflag:s22] =	dma.local [hbm:s6], s20  }
0xa4: {  	_ =	swait.ge [sflag:s22], s20  }
0xa5: {  	s5 =	ssub.s32 $0x0, s20;
	[sflag:s22] =	ssyncset.done $0x0  }
0xa6: {  	[sflag:s22] =	ssyncadd.s32 s5;
	_ =	sdelay $0x1  }
0xa7: {  	s23 =	simm.s32 $0x1B8B  }
0xa8: {  	_ =	swait.ge [sflag:s23], $0x1  }
0xa9: {  	[sflag:s23] =	ssyncset.done $0x0  }
0xaa: {  	s25 =	simm.s32 $0x1B8E;
	s24 =	sld [smem:$0x3FFE];
	[sflag:s23] =	ssyncadd.s32 $0xFFFFFFFF  }
0xab: {  	s26 =	simm.s32 $execute0_lowered;
	[smem:$0x3FD2] =	sst s25  }
0xac: {  	s6 =	sshll.u32 s26, $0x1;
	_ =	strace $0x8000004C;
	[dreg:$0x1] =	wrdreg $0xFFFFFFFF  }
0xad: {  	s28 =	simm.s32 $_size_execute0_lowered;
	s4 =	sadd.s32 s4, s6;
	[dreg:$0x0] =	wrdreg $0x0  }
0xae: {  	s6 =	sshll.u32 s28, $0x1;
	[dreg:$0x2] =	wrdreg s4  }
0xaf: {  	[dreg:$0x3] =	wrdreg s6  }
0xb0: {  	[dreg:$0x4] =	wrdreg $0xC0  }
0xb1: {  	_ =	task [dreg:s8], $0x5FFFF  }
0xb2: {  	[dreg:$0x1] =	wrdreg $0xFFFFFFFF  }
0xb3: {  	[dreg:$0x0] =	wrdreg $0x60  }
0xb4: {  	[dreg:$0x2] =	wrdreg s24  }
0xb5: {  	[dreg:$0x3] =	wrdreg s16  }
0xb6: {  	[dreg:$0x4] =	wrdreg s17  }
0xb7: {  	[dreg:$0x5] =	wrdreg $0x9  }
0xb8: {  	_ =	task.clear_ibuf [dreg:s8], $0x6FFFF;
	_ =	strace $0x9000004C  }
0xb9: {  	s29 =	simm.s32 $0x9;
	_ =	strace $0x8000004E  }
0xba: {  	_ =	swait.ge [sflag:s29], $0x1  }
0xbb: {  	[sflag:s29] =	ssyncadd.s32 $0xFFFFFFFF  }
0xbc: {  	_ =	strace $0x9000004E  }
0xbd: {  	_ =	sfence  }
0xbe: {  	s30 =	sld [smem:$0x0];
	_ =	sdelay $0x2  }
0xbf: {  	s31 =	sshll.u32 s1, $0xD;
	s1 =	sshrl.u32 s1, $0x2  }
0xc0: {  	s3 =	sand.u32 $0x4000, s31;
	s1 =	sadd.s32 s1, s30  }
0xc1: {  	s0 =	sor.u32 s3, s0;
	s1 =	sshll.u32 s1, $0x11  }
0xc2: {  	s0 =	sor.u32 s1, s0  }
0xc3: {  	s0 =	sadd.s32 $0x8F2B, s0  }
0xc4: {  	[sflag:s0] =	ssyncadd.remote.s32 $0x1  }
0xc5: {  	_ =	sfence.sel $0xFFFF  }
0xc6: {  	[dreg:$0x0] =	wrdreg $0xFFFFFFFF;
	(pc) =	sbr.abs _section_cstart, $3  }
0xc7: {  	[dreg:$0x1] =	wrdreg $0xFFFFFFFF  }
0xc8: {  	_ =	task.clear_ibuf [dreg:s8], $0x2FFFF;
	_ =	strace $0x9FFFFFFF  }
0xc9: {  	(tm) =	ssettm $0x7FFFFFFF  }
tec
execute0_lowered:
.L_overlay_start_1:
0x0: {  	(tag) =	ssettag $0x1  }
0x1: {  	s0 =	rddreg [dreg:$0x0]  }
0x2: {  	s4 =	rddreg [dreg:$0x1]  }
0x3: {  	s7 =	simm.s32 $0x0;
	s1 =	srdreg.scid;
	s2 =	stileid.u32  }
0x4: {  	s14 =	simm.s32 $0x10;
	s15 =	simm.s32 $0x200;
	s17 =	simm.s32 $0x10000  }
0x5: {  	s20 =	simm.s32 $0x10400;
	s21 =	simm.s32 $0x1;
	s28 =	simm.s32 $0x2  }
0x6: {  	s29 =	simm.s32 $0x13080;
	s31 =	simm.s32 $0x3;
	[smem:$0x7FF] =	sst s7  }
0x7: {  	s5 =	sadd.s32 $0xE00, s0;
	s1 =	sand.u32 $0x1, s1;
	s2 =	sshll.u32 s2, $0x1  }
0x8: {  	s6 =	sadd.s32 $0x200E00, s0;
	s3 =	sadd.s32 $0x400E00, s0;
	s26 =	sadd.s32 $0x80, s4  }
0x9: {  	_ =	strace $0x8000004D;
	s2 =	sor.u32 s1, s2;
	[dreg:$0x4] =	wrdreg s3  }
0xa: {  	s1 =	ssub.s32 $0x2, s1;
	[dreg:$0x7] =	wrdreg s26;
	s26 =	simm.s32 $0x12000  }
0xb: {  	s22 =	sshll.u32 s2, $0x8;
	s8 =	sshrl.u32 s1, $0x1;
	s23 =	sshll.u32 s2, $0x1  }
0xc: {  	s0 =	sadd.s32 s22, s0;
	s1 =	ssub.s32 s1, s8;
	s24 =	sadd.s32 s6, s23  }
0xd: {  	s8 =	sshll.u32 s2, $0x4;
	s25 =	sadd.s32 s5, s23;
	[dreg:$0x5] =	wrdreg s24  }
0xe: {  	s22 =	simm.s32 $0x12800;
	s23 =	simm.s32 $0x10800;
	[dreg:$0x6] =	wrdreg s25  }
0xf: {  	v0 =	vimm.f32 $0.0e+00;
	v2 =	vimm.s32 $0x0;
	vm0 =	vcmask $0x300;
	s12 =	sadd.s32 $0x420E00, s0;
	s30 =	smax.u32 s1, $0x1;
	s24 =	simm.s32 $0x11000  }
0x10: {  	v1 =	vimm.f32 $1.000000000e+00;
	v3 =	vlaneseq.u32;
	v2 =	vsel vm0, $0x3, v2;
	s25 =	simm.s32 $0x11800;
	s1 =	simm.s32 $0x0;
	[dreg:$0x8] =	wrdreg s30  }
.LBB2_1:
0x11: {  	[dreg:$0x9] =	wrdreg s1;
	s0 =	simm.s32 $0x11020  }
0x12: {  	[tilespmem:s0+$0xFFFFFFF0] =	vst v0  }
0x13: {  	[tilespmem:s0+$0x0] =	vst v0  }
0x14: {  	[tilespmem:s0+$0x10] =	vst v0  }
0x15: {  	s2 =	simm.s32 $0x11820;
	[tilespmem:s0+$0xFFFFFFE0] =	vst v0  }
0x16: {  	[tilespmem:s2+$0xFFFFFFF0] =	vst v0  }
0x17: {  	[tilespmem:s2+$0x0] =	vst v0  }
0x18: {  	[tilespmem:s2+$0x10] =	vst v0  }
0x19: {  	s3 =	simm.s32 $0x12020;
	[tilespmem:s2+$0xFFFFFFE0] =	vst v0  }
0x1a: {  	[tilespmem:s3+$0xFFFFFFF0] =	vst v0  }
0x1b: {  	[tilespmem:s3+$0x0] =	vst v0  }
0x1c: {  	[tilespmem:s3+$0x10] =	vst v0  }
0x1d: {  	s9 =	simm.s32 $0x0;
	s1 =	simm.s32 $0x11060;
	s0 =	simm.s32 $0x12810;
	[tilespmem:s3+$0xFFFFFFE0] =	vst v0  }
.LBB2_2:
0x1e: {  	[tilespmem:s1+$0xFFFFFFF0] =	vst v0;
	s2 =	sadd.s32 $0x40, s2  }
0x1f: {  	s3 =	sadd.s32 $0x40, s3;
	[tilespmem:s2+$0xFFFFFFF0] =	vst v0  }
0x20: {  	[tilespmem:s3+$0xFFFFFFF0] =	vst v0  }
0x21: {  	[tilespmem:s1+$0x0] =	vst v0  }
0x22: {  	[tilespmem:s2+$0x0] =	vst v0  }
0x23: {  	s9 =	sadd.s32 $0x4, s9;
	[tilespmem:s3+$0x0] =	vst v0  }
0x24: {  	p0 =	slt.u32 s9, $0x7C;
	[tilespmem:s1+$0x10] =	vst v0  }
.Ltmp0:
0x25: {  	[tilespmem:s2+$0x10] =	vst v0;
	(pc) =	sbr.rel @p0 .LBB2_2-.Ltmp0, $4  }
0x26: {  	[tilespmem:s3+$0x10] =	vst v0  }
0x27: {  	[tilespmem:s1+$0xFFFFFFE0] =	vst v0  }
0x28: {  	[tilespmem:s2+$0xFFFFFFE0] =	vst v0  }
0x29: {  	s1 =	sadd.s32 $0x40, s1;
	[tilespmem:s3+$0xFFFFFFE0] =	vst v0  }
0x2a: {  	s1 =	simm.s32 $0x0;
	[tilespmem:s0+$0xFFFFFFF0] =	vst v0;
	s2 =	simm.s32 $0x10820  }
.LBB2_4:
0x2b: {  	s1 =	sadd.s32 $0x2, s1  }
0x2c: {  	[tilespmem:s0+$0x0] =	vst v0;
	s0 =	sadd.s32 $0x20, s0;
	p0 =	slt.u32 s1, $0x6  }
.Ltmp1:
0x2d: {  	[tilespmem:s0+$0xFFFFFFF0] =	vst v0;
	(pc) =	sbr.rel @p0 .LBB2_4-.Ltmp1, $1  }
0x2e: {  	_ =	sdelay $0x3  }
0x2f: {  	[tilespmem:s0+$0x0] =	vst v0  }
0x30: {  	[tilespmem:s2+$0xFFFFFFE0] =	vst v0  }
0x31: {  	[tilespmem:s2+$0x10] =	vst v0  }
0x32: {  	s1 =	simm.s32 $0x0;
	s0 =	simm.s32 $0x13090;
	[tilespmem:s2+$0x0] =	vst v0  }
.LBB2_6:
0x33: {  	s1 =	sadd.s32 $0x4, s1  }
0x34: {  	[tilespmem:s2+$0xFFFFFFF0] =	vst v0;
	s2 =	sadd.s32 $0x40, s2;
	p0 =	slt.u32 s1, $0x7C  }
.Ltmp2:
0x35: {  	[tilespmem:s2+$0xFFFFFFE0] =	vst v0;
	(pc) =	sbr.rel @p0 .LBB2_6-.Ltmp2, $3  }
0x36: {  	_ =	sdelay $0x1  }
0x37: {  	[tilespmem:s2+$0x10] =	vst v0  }
0x38: {  	[tilespmem:s2+$0x0] =	vst v0  }
0x39: {  	[tilespmem:s2+$0xFFFFFFF0] =	vst v0  }
0x3a: {  	s1 =	simm.s32 $0x0;
	[tilespmem:s0+$0xFFFFFFF0] =	vst v0  }
.LBB2_8:
0x3b: {  	s1 =	sadd.s32 $0x2, s1  }
0x3c: {  	p0 =	slt.u32 s1, $0x6  }
.Ltmp3:
0x3d: {  	_ = 	snop;
	(pc) =	sbr.rel @p0 .LBB2_8-.Ltmp3, $3  }
0x3e: {  	_ =	sdelay $0x1  }
0x3f: {  	[tilespmem:s0+$0x0] =	vst v0;
	s0 =	sadd.s32 $0x20, s0  }
0x40: {  	[tilespmem:s0+$0xFFFFFFF0] =	vst v0  }
0x41: {  	[tilespmem:s0+$0x0] =	vst v0  }
0x42: {  	s3 =	simm.s32 $0x0;
	s0 =	rddreg [dreg:$0x5]  }
0x43: {  	[tilespmem:s3], [sflag:$0x1] =	stream.strided.gather [hbm4b:s0+s14], $0x4000, s15, s14, $0x38;
	[tilespmem:$0x13100] =	vst v63  }
0x44: {  	s1 =	simm.s32 $0x8000;
	s19 =	rddreg [dreg:$0x6]  }
0x45: {  	[tilespmem:s1], [sflag:$0x1] =	stream.strided.gather [hbm4b:s19+s14], $0x4000, s15, s14, $0x38;
	[tilespmem:$0x13100] =	vst v63  }
0x46: {  	s30 =	rddreg [dreg:$0x1]  }
0x47: {  	[tilespmem:s17], [sflag:$0x1] =	stream.linear.gather [hbm4b:s30+s3], $0x400, $0x38;
	[tilespmem:$0x13100] =	vst v63  }
.LBB2_10:
0x48: {  	s0 =	sshll.u32 s3, $0x14  }
0x49: {  	s0 =	sor.u32 s8, s0  }
0x4a: {  	s0 =	sshrl.u32 s0, $0x3  }
0x4b: {  	s0 =	sor.u32 $0x10000, s0  }
0x4c: {  	s2 =	simm.s32 $0x4000;
	s16 =	simm.s32 $0xC000;
	s1 =	sadd.s32 s6, s0  }
0x4d: {  	[tilespmem:s2], [sflag:$0x2] =	stream.strided.gather [hbm4b:s1+s14], $0x4000, s15, s14, $0x38;
	[tilespmem:$0x13100] =	vst v63  }
0x4e: {  	s18 =	sshll.u32 s3, $0x8;
	s19 =	rddreg [dreg:$0x7];
	s0 =	sadd.s32 s5, s0  }
0x4f: {  	[tilespmem:s16], [sflag:$0x2] =	stream.strided.gather [hbm4b:s0+s14], $0x4000, s15, s14, $0x38;
	[tilespmem:$0x13100] =	vst v63  }
0x50: {  	s0 =	sadd.s32 s18, s19  }
0x51: {  	[tilespmem:s20], [sflag:$0x2] =	stream.linear.gather [hbm4b:s0+s7], $0x400, $0x38;
	[tilespmem:$0x13100] =	vst v63  }
0x52: {  	_ =	swait.ge [sflag:s21], $0x4000  }
0x53: {  	[sflag:s21] =	ssyncset.done $0x0  }
0x54: {  	[sflag:s21] =	ssyncadd.s32 $0xFFFFC000  }
0x55: {  	_ =	swait.ge [sflag:s21], $0x4000  }
0x56: {  	[sflag:s21] =	ssyncset.done $0x0  }
0x57: {  	[sflag:s21] =	ssyncadd.s32 $0xFFFFC000  }
0x58: {  	_ =	swait.ge [sflag:s21], $0x400  }
0x59: {  	[sflag:s21] =	ssyncset.done $0x0  }
0x5a: {  	s30 =	simm.s32 $0x10020;
	[sflag:s21] =	ssyncadd.s32 $0xFFFFFC00  }
0x5b: {  	v7 =	vld [tilespmem:s30+$0x10];
	_ =	sdelay $0x4  }
0x5c: {  	v6 =	vld [tilespmem:s30+$0xFFFFFFE0]  }
0x5d: {  	v5 =	vld [tilespmem:s30+$0xFFFFFFF0]  }
0x5e: {  	s10 =	simm.s32 $0x10060;
	v4 =	vld [tilespmem:s30+$0x0]  }
0x5f: {  	s1 =	simm.s32 $0x0;
	s2 =	simm.s32 $0x40;
	s0 =	simm.s32 $0x8040;
	[tilespmem:v7+s22+$0x0] =	vst.idx.add.f32.msk $0xffff, v1  }
.LBB2_11:
0x60: {  	v7 =	vld [tilespmem:s10+$0x10];
	s1 =	sadd.s32 $0x4, s1  }
0x61: {  	v8 =	vld [tilespmem:s10+$0xFFFFFFF0];
	p0 =	slt.u32 s1, $0x3C  }
0x62: {  	v9 =	vld [tilespmem:s10+$0x0]  }
0x63: {  	v10 =	vld [tilespmem:s10+$0xFFFFFFE0]  }
.Ltmp4:
0x64: {  	[tilespmem:v6+s22+$0x0] =	vst.idx.add.f32.msk $0xffff, v1;
	(pc) =	sbr.rel @p0 .LBB2_11-.Ltmp4, $4  }
0x65: {  	[tilespmem:v5+s22+$0x0] =	vst.idx.add.f32.msk $0xffff, v1  }
0x66: {  	[tilespmem:v4+s22+$0x0] =	vst.idx.add.f32.msk $0xffff, v1;
	v5 =	vmov v8  }
0x67: {  	v4 =	vmov v9  }
0x68: {  	s9 =	simm.s32 $0x0;
	s10 =	sadd.s32 $0x40, s10;
	[tilespmem:v7+s22+$0x0] =	vst.idx.add.f32.msk $0xffff, v1;
	v6 =	vmov v10  }
0x69: {  	_ =	sdelay $0x3  }
0x6a: {  	s1 =	simm.s32 $0x1;
	[tilespmem:v6+s22+$0x0] =	vst.idx.add.f32.msk $0xffff, v1  }
0x6b: {  	s10 =	simm.s32 $0x5;
	s13 =	simm.s32 $0x4;
	[tilespmem:v5+s22+$0x0] =	vst.idx.add.f32.msk $0xffff, v1;
	s18 =	simm.s32 $0x6;
	v24 =	vmov s9;
	v6 =	vmov s1  }
0x6c: {  	s16 =	simm.s32 $0x7;
	[tilespmem:v4+s22+$0x0] =	vst.idx.add.f32.msk $0xffff, v1;
	s19 =	simm.s32 $0x3;
	v7 =	vmov s10;
	v8 =	vmov s13;
	v11 =	vmov s18  }
0x6d: {  	v12 =	vld [tilespmem:s0+$0x0];
	v14 =	vmov s19;
	v5 =	vshrl.u32 v7, $0x3;
	v7 =	vmov s16  }
0x6e: {  	v17 =	vld [tilespmem:s2+$0x0];
	v4 =	vshrl.u32 v6, $0x3;
	v8 =	vshrl.u32 v8, $0x3;
	v11 =	vshrl.u32 v11, $0x3  }
0x6f: {  	v22 =	vld [tilespmem:s2+$0x30];
	v14 =	vshrl.u32 v14, $0x3;
	v5 =	vshll.u32 v5, v2;
	v6 =	vshrl.u32 v7, $0x3  }
0x70: {  	v31 =	vld [tilespmem:s0+$0x10];
	v4 =	vshll.u32 v4, v2;
	v8 =	vshll.u32 v8, v2;
	v9 =	vadd.s32 $0x5, v5  }
0x71: {  	v59 =	vld [tilespmem:s2+$0xFFFFFFD0];
	v11 =	vshll.u32 v11, v2;
	v4 =	vadd.s32 $0x1, v4;
	v9 =	vbroadcast v9, $0x0  }
0x72: {  	v33 =	vld [tilespmem:s2+$0x10];
	v14 =	vshll.u32 v14, v2;
	v8 =	vadd.s32 $0x4, v8;
	v4 =	vbroadcast v4, $0x0  }
0x73: {  	v62 =	vld [tilespmem:s0+$0x30];
	v6 =	vshll.u32 v6, v2;
	v14 =	vadd.s32 $0x3, v14;
	v15 =	vbroadcast v8, $0x0  }
0x74: {  	s30 =	simm.s32 $0x2;
	v13 =	vld [tilespmem:s0+$0x20];
	v10 =	vadd.s32 $0x7, v6;
	v8 =	vadd.s32 $0x6, v11;
	v14 =	vbroadcast v14, $0x0  }
0x75: {  	v16 =	vmov s30;
	v37 =	vld [tilespmem:s0+$0xFFFFFFD0];
	v10 =	vbroadcast v10, $0x0;
	v18 =	vbroadcast v8, $0x0  }
0x76: {  	v7 =	vld [tilespmem:s2+$0xFFFFFFE0];
	v8 =	vshrl.u32 v16, $0x3;
	v28 =	vshrl.u32 v17, $0x17;
	v29 =	vand.u32 $0x7FFFFF, v17  }
0x77: {  	v36 =	vand.u32 $0x7FFFFF, v22;
	v38 =	vand.u32 $0x7FFFFF, v59;
	v42 =	vmul.f32 v12, v17;
	v9 =	vld.idx.msk [tilespmem:v9+s17+$0x0], $0xffff  }
0x78: {  	v41 =	vand.u32 $0x7FFFFF, v33;
	v45 =	vmul.f32 v31, v33;
	v49 =	vmul.f32 v62, v22;
	v4 =	vld.idx.msk [tilespmem:v4+s17+$0x0], $0xffff  }
0x79: {  	v44 =	vshrl.u32 v59, $0x17;
	v36 =	vcvt.s32.f32 v36;
	v41 =	vcvt.s32.f32 v41;
	v15 =	vld.idx.msk [tilespmem:v15+s17+$0x0], $0xffff  }
0x7a: {  	v8 =	vshll.u32 v8, v2;
	v28 =	vcvt.s32.f32 v28;
	v48 =	vcvt.s32.f32 v38;
	v14 =	vld.idx.msk [tilespmem:v14+s17+$0x0], $0xffff  }
0x7b: {  	v52 =	vcvt.s32.f32 v44;
	v19 =	vshrl.u32 v7, $0x17;
	v16 =	vld.idx.msk [tilespmem:v10+s17+$0x0], $0xffff;
	v10 =	vadd.s32 $0x2, v8  }
0x7c: {  	v6 =	vld [tilespmem:s2+$0xFFFFFFF0];
	v20 =	vand.u32 $0x7FFFFF, v7;
	v12 =	vmul.f32 v42, v12;
	v25 =	vbroadcast v10, $0x0  }
0x7d: {  	v11 =	vld [tilespmem:s2+$0x20];
	v31 =	vmul.f32 v45, v31;
	v20 =	vcvt.s32.f32 v20;
	v9 =	vshll.u32 v9, $0x4  }
0x7e: {  	v63 =	vmul.f32 $2.586843540e-22, v41;
	v18 =	vld.idx.msk [tilespmem:v18+s17+$0x0], $0xffff;
	v15 =	vshll.u32 v15, $0x4;
	v34 =	vor.u32 v3, v9  }
0x7f: {  	v39 =	vld [tilespmem:s0+$0xFFFFFFF0];
	v46 =	vmul.f32 $2.586843540e-22, v36;
	v4 =	vshll.u32 v4, $0x4;
	v15 =	vor.u32 v3, v15  }
0x80: {  	v5 =	vld [tilespmem:s0+$0xFFFFFFE0];
	v50 =	vmul.f32 $2.586843540e-22, v48;
	v14 =	vshll.u32 v14, $0x4;
	v4 =	vor.u32 v3, v4  }
0x81: {  	v43 =	vld [tilespmem:s2+$0xFFFFFFC0];
	v21 =	vshrl.u32 v6, $0x17;
	v23 =	vand.u32 $0x7FFFFF, v6;
	v14 =	vor.u32 v3, v14  }
0x82: {  	v26 =	vshrl.u32 v11, $0x17;
	v27 =	vand.u32 $0x7FFFFF, v11;
	v30 =	vmul.f32 v13, v11;
	v60 =	vld.idx.msk [tilespmem:v25+s17+$0x0], $0xffff  }
0x83: {  	v23 =	vcvt.s32.f32 v23;
	v26 =	vcvt.s32.f32 v26;
	v18 =	vshll.u32 v18, $0x4;
	[tilespmem:v34+s23+$0x0] =	vst.idx.add.f32.msk $0xffff, v33  }
0x84: {  	v27 =	vcvt.s32.f32 v27;
	v9 =	vshll.u32 v16, $0x4;
	v40 =	vor.u32 v3, v18;
	[tilespmem:v15+s23+$0x0] =	vst.idx.add.f32.msk $0xffff, v17  }
0x85: {  	v21 =	vcvt.s32.f32 v21;
	v8 =	vmul.f32 v5, v7;
	v47 =	vor.u32 v3, v9;
	[tilespmem:v4+s23+$0x0] =	vst.idx.add.f32.msk $0xffff, v59  }
0x86: {  	v24 =	vshrl.u32 v24, $0x3;
	v10 =	vcvt.s32.f32 v19;
	v19 =	vcvt.s32.f32 v29;
	[tilespmem:v14+s23+$0x0] =	vst.idx.add.f32.msk $0xffff, v6  }
0x87: {  	v35 =	vmul.f32 $2.586843540e-22, v27;
	v56 =	vmul.f32 $2.586843540e-22, v23;
	v16 =	vshll.u32 v24, v2;
	[tilespmem:v15+s24+$0x0] =	vst.idx.add.f32.msk $0xffff, v42  }
0x88: {  	v55 =	vshrl.u32 v33, $0x17;
	v32 =	vmul.f32 $2.586843540e-22, v19;
	v16 =	vbroadcast v16, $0x0;
	[tilespmem:v34+s24+$0x0] =	vst.idx.add.f32.msk $0xffff, v45  }
0x89: {  	v35 =	vadd.f32 $-8.081770900e-15, v35;
	v18 =	vmul.f32 $2.586843540e-22, v20;
	v9 =	vmul.f32 v37, v59;
	[tilespmem:v40+s23+$0x0] =	vst.idx.add.f32.msk $0xffff, v11  }
0x8a: {  	v61 =	vadd.f32 $-8.081770900e-15, v32;
	v32 =	vmul.f32 v49, v62;
	v62 =	vmul.f32 v39, v6;
	[tilespmem:v47+s23+$0x0] =	vst.idx.add.f32.msk $0xffff, v22  }
0x8b: {  	v17 =	vadd.f32 $-8.081770900e-15, v18;
	v18 =	vmul.f32 v27, v35;
	v35 =	vadd.f32 $-8.081770900e-15, v63;
	[tilespmem:v4+s24+$0x0] =	vst.idx.add.f32.msk $0xffff, v9  }
0x8c: {  	v57 =	vand.u32 $0x7FFFFF, v43;
	v13 =	vmul.f32 v30, v13;
	v25 =	vmul.f32 v19, v61;
	[tilespmem:v14+s24+$0x0] =	vst.idx.add.f32.msk $0xffff, v62  }
0x8d: {  	v29 =	vcvt.s32.f32 v55;
	v58 =	vadd.f32 $-8.081770900e-15, v56;
	[tilespmem:v40+s24+$0x0] =	vst.idx.add.f32.msk $0xffff, v30;
	v35 =	vmul.f32 v41, v35  }
0x8e: {  	v54 =	vmul.f32 v9, v37;
	v25 =	vadd.f32 $1.687590160e-07, v25;
	v63 =	vmul.f32 v62, v39;
	v16 =	vld.idx.msk [tilespmem:v16+s17+$0x0], $0xffff  }
0x8f: {  	v22 =	vshrl.u32 v22, $0x17;
	v11 =	vshll.u32 v60, $0x4;
	[tilespmem:v34+s25+$0x0] =	vst.idx.add.f32.msk $0xffff, v31;
	v51 =	vadd.f32 $1.687590160e-07, v35  }
0x90: {  	v19 =	vmul.f32 v19, v25;
	v18 =	vadd.f32 $1.687590160e-07, v18;
	[tilespmem:v47+s24+$0x0] =	vst.idx.add.f32.msk $0xffff, v49;
	v9 =	vor.u32 v3, v11  }
0x91: {  	v59 =	vadd.f32 $-8.081770900e-15, v46;
	v22 =	vcvt.s32.f32 v22;
	[tilespmem:v4+s25+$0x0] =	vst.idx.add.f32.msk $0xffff, v54;
	v53 =	vmul.f32 v41, v51  }
0x92: {  	v30 =	vadd.f32 $-8.081770900e-15, v50;
	[tilespmem:v40+s25+$0x0] =	vst.idx.add.f32.msk $0xffff, v13;
	v13 =	vcvt.s32.f32 v57;
	v18 =	vmul.f32 v27, v18  }
0x93: {  	[tilespmem:v15+s25+$0x0] =	vst.idx.add.f32.msk $0xffff, v12;
	v27 =	vmul.f32 v23, v58;
	v16 =	vshll.u32 v16, $0x4;
	v25 =	vadd.f32 $-1.269991760e+02, v53  }
0x94: {  	[tilespmem:v14+s25+$0x0] =	vst.idx.add.f32.msk $0xffff, v63;
	v12 =	vor.u32 v3, v16;
	v16 =	vadd.f32 $-1.269991760e+02, v19;
	v19 =	vmul.f32 $2.586843540e-22, v13  }
0x95: {  	[tilespmem:v9+s23+$0x0] =	vst.idx.add.f32.msk $0xffff, v7;
	v7 =	vadd.f32 $1.687590160e-07, v27;
	v25 =	vadd.f32 v29, v25;
	v29 =	vmul.f32 v36, v59  }
0x96: {  	v17 =	vmul.f32 v20, v17;
	[tilespmem:v47+s25+$0x0] =	vst.idx.add.f32.msk $0xffff, v32;
	v11 =	vmul.f32 v48, v30;
	v19 =	vadd.f32 $-8.081770900e-15, v19  }
0x97: {  	v60 =	vadd.f32 $-1.269991760e+02, v18;
	v18 =	vld [tilespmem:s0+$0xFFFFFFC0];
	v7 =	vmul.f32 v23, v7;
	v61 =	vadd.f32 $1.687590160e-07, v29  }
0x98: {  	v11 =	vadd.f32 $1.687590160e-07, v11;
	[tilespmem:v9+s24+$0x0] =	vst.idx.add.f32.msk $0xffff, v8;
	v16 =	vadd.f32 v28, v16;
	v19 =	vmul.f32 v13, v19  }
0x99: {  	v17 =	vadd.f32 $1.687590160e-07, v17;
	[tilespmem:v34+s26+$0x0] =	vst.idx.add.f32.msk $0xffff, v25;
	v7 =	vadd.f32 $-1.269991760e+02, v7;
	v6 =	vmul.f32 v36, v61  }
0x9a: {  	v11 =	vmul.f32 v48, v11;
	v25 =	vadd.f32 v26, v60;
	[tilespmem:v15+s26+$0x0] =	vst.idx.add.f32.msk $0xffff, v16;
	v16 =	vadd.f32 $1.687590160e-07, v19  }
0x9b: {  	v15 =	vmul.f32 v20, v17;
	[tilespmem:v12+s23+$0x0] =	vst.idx.add.f32.msk $0xffff, v43;
	v7 =	vadd.f32 v21, v7;
	v6 =	vadd.f32 $-1.269991760e+02, v6  }
0x9c: {  	v11 =	vadd.f32 $-1.269991760e+02, v11;
	v17 =	vshrl.u32 v43, $0x17;
	[tilespmem:v40+s26+$0x0] =	vst.idx.add.f32.msk $0xffff, v25;
	v19 =	vmul.f32 v8, v5  }
0x9d: {  	v5 =	vadd.f32 $-1.269991760e+02, v15;
	v13 =	vmul.f32 v13, v16;
	[tilespmem:v14+s26+$0x0] =	vst.idx.add.f32.msk $0xffff, v7;
	v6 =	vadd.f32 v22, v6  }
0x9e: {  	v8 =	vcvt.s32.f32 v17;
	v7 =	vadd.f32 v52, v11;
	[tilespmem:v9+s25+$0x0] =	vst.idx.add.f32.msk $0xffff, v19  }
0x9f: {  	s9 =	simm.s32 $0x8;
	s10 =	simm.s32 $0xC0;
	s16 =	simm.s32 $0x80C0;
	v5 =	vadd.f32 v10, v5;
	v10 =	vadd.f32 $-1.269991760e+02, v13;
	[tilespmem:v47+s26+$0x0] =	vst.idx.add.f32.msk $0xffff, v6;
	v6 =	vmul.f32 v18, v43  }
.LBB2_13:
0xa0: {  	s1 =	sadd.s32 $0x1, s9  }
0xa1: {  	s2 =	sadd.s32 $0x2, s9;
	s13 =	sadd.s32 $0x3, s9;
	v11 =	vmul.f32 v6, v18;
	[tilespmem:v12+s24+$0x0] =	vst.idx.add.f32.msk $0xffff, v6;
	s0 =	smov.u32 s9  }
0xa2: {  	v13 =	vmov s1;
	v14 =	vmov s2;
	v6 =	vld [tilespmem:s10+$0xFFFFFFE0];
	v15 =	vmov s13;
	s1 =	sadd.s32 $0x4, s9;
	s2 =	sadd.s32 $0x5, s9;
	s13 =	sadd.s32 $0x6, s9  }
0xa3: {  	p0 =	slt.u32 s9, $0x3F8;
	s9 =	sadd.s32 $0x8, s9;
	v8 =	vadd.f32 v8, v10;
	v16 =	vmov s1;
	v17 =	vmov s2;
	s1 =	sadd.s32 $0x7, s0;
	[tilespmem:v4+s26+$0x0] =	vst.idx.add.f32.msk $0xffff, v7  }
0xa4: {  	v4 =	vshrl.u32 v13, $0x3;
	v7 =	vshrl.u32 v17, $0x3;
	v10 =	vmov s1;
	[tilespmem:v12+s25+$0x0] =	vst.idx.add.f32.msk $0xffff, v11  }
0xa5: {  	v4 =	vshll.u32 v4, v2;
	v7 =	vshll.u32 v7, v2;
	v10 =	vshrl.u32 v10, $0x3;
	[tilespmem:v9+s26+$0x0] =	vst.idx.add.f32.msk $0xffff, v5  }
0xa6: {  	v9 =	vshrl.u32 v16, $0x3;
	v5 =	vld [tilespmem:s16+$0xFFFFFFE0];
	v7 =	vadd.s32 $0x5, v7;
	v10 =	vshll.u32 v10, v2  }
0xa7: {  	v4 =	vadd.s32 $0x1, v4;
	v13 =	vbroadcast v7, $0x0;
	v10 =	vadd.s32 $0x7, v10;
	[tilespmem:v12+s26+$0x0] =	vst.idx.add.f32.msk $0xffff, v8  }
0xa8: {  	v4 =	vbroadcast v4, $0x0;
	v8 =	vmov s13;
	v7 =	vld [tilespmem:s10+$0xFFFFFFF0];
	v10 =	vbroadcast v10, $0x0  }
0xa9: {  	v11 =	vshrl.u32 v14, $0x3;
	v9 =	vshll.u32 v9, v2;
	v8 =	vshrl.u32 v8, $0x3;
	v12 =	vld [tilespmem:s16+$0x0]  }
0xaa: {  	v11 =	vshll.u32 v11, v2;
	v9 =	vadd.s32 $0x4, v9;
	v8 =	vshll.u32 v8, v2;
	v18 =	vld [tilespmem:s16+$0x20]  }
0xab: {  	v14 =	vadd.s32 $0x2, v11;
	v9 =	vbroadcast v9, $0x0;
	v8 =	vadd.s32 $0x6, v8;
	v19 =	vld [tilespmem:s10+$0x20]  }
0xac: {  	v11 =	vshrl.u32 v15, $0x3;
	v16 =	vshrl.u32 v6, $0x17;
	v15 =	vbroadcast v8, $0x0;
	v20 =	vld [tilespmem:s10+$0x0]  }
0xad: {  	v17 =	vand.u32 $0x7FFFFF, v6;
	v21 =	vshll.u32 v11, v2;
	v11 =	vshrl.u32 v7, $0x17;
	v22 =	vld.idx.msk [tilespmem:v13+s17+$0x0], $0xffff  }
0xae: {  	v8 =	vmul.f32 v5, v6;
	v13 =	vadd.s32 $0x3, v21;
	v21 =	vand.u32 $0x7FFFFF, v7;
	v23 =	vld.idx.msk [tilespmem:v10+s17+$0x0], $0xffff  }
0xaf: {  	v24 =	vmov s0;
	v25 =	vbroadcast v14, $0x0;
	v26 =	vbroadcast v13, $0x0;
	v4 =	vld.idx.msk [tilespmem:v4+s17+$0x0], $0xffff  }
0xb0: {  	v13 =	vcvt.s32.f32 v21;
	v21 =	vshrl.u32 v19, $0x17;
	v27 =	vand.u32 $0x7FFFFF, v19;
	v28 =	vld [tilespmem:s10+$0x30]  }
0xb1: {  	v30 =	vmul.f32 v18, v19;
	v9 =	vld.idx.msk [tilespmem:v9+s17+$0x0], $0xffff;
	v29 =	vshrl.u32 v20, $0x17;
	v14 =	vand.u32 $0x7FFFFF, v20  }
0xb2: {  	v10 =	vcvt.s32.f32 v16;
	v31 =	vcvt.s32.f32 v14;
	v32 =	vld.idx.msk [tilespmem:v15+s17+$0x0], $0xffff  }
0xb3: {  	v16 =	vcvt.s32.f32 v21;
	v15 =	vshrl.u32 v24, $0x3;
	v14 =	vcvt.s32.f32 v17;
	v24 =	vld [tilespmem:s16+$0x10]  }
0xb4: {  	v27 =	vcvt.s32.f32 v27;
	v23 =	vshll.u32 v23, $0x4;
	v21 =	vld [tilespmem:s10+$0xFFFFFFD0];
	v17 =	vmul.f32 $2.586843540e-22, v31  }
0xb5: {  	v22 =	vshll.u32 v22, $0x4;
	v15 =	vshll.u32 v15, v2;
	v4 =	vshll.u32 v4, $0x4;
	v26 =	vld.idx.msk [tilespmem:v26+s17+$0x0], $0xffff  }
0xb6: {  	v22 =	vor.u32 v3, v22;
	v34 =	vmul.f32 $2.586843540e-22, v27;
	v17 =	vadd.f32 $-8.081770900e-15, v17;
	v33 =	vld [tilespmem:s10+$0x10]  }
0xb7: {  	v35 =	vbroadcast v15, $0x0;
	v36 =	vand.u32 $0x7FFFFF, v28;
	v9 =	vshll.u32 v9, $0x4;
	v25 =	vld.idx.msk [tilespmem:v25+s17+$0x0], $0xffff  }
0xb8: {  	v36 =	vcvt.s32.f32 v36;
	v15 =	vor.u32 v3, v9;
	v9 =	vshll.u32 v32, $0x4;
	v32 =	vld [tilespmem:s16+$0x30]  }
0xb9: {  	v34 =	vadd.f32 $-8.081770900e-15, v34;
	v39 =	vor.u32 v3, v9;
	v37 =	vld [tilespmem:s16+$0xFFFFFFD0];
	v38 =	vand.u32 $0x7FFFFF, v21  }
0xba: {  	v42 =	vmul.f32 v12, v20;
	v40 =	vmul.f32 $2.586843540e-22, v14;
	v9 =	vshrl.u32 v21, $0x17;
	v41 =	vld [tilespmem:s16+$0xFFFFFFF0]  }
0xbb: {  	v43 =	vmul.f32 v31, v17;
	v44 =	vmul.f32 v24, v33;
	v45 =	vand.u32 $0x7FFFFF, v33;
	[tilespmem:v22+s23+$0x0] =	vst.idx.add.f32.msk $0xffff, v33  }
0xbc: {  	v40 =	vadd.f32 $-8.081770900e-15, v40;
	v34 =	vmul.f32 v27, v34;
	v17 =	vld [tilespmem:s10+$0xFFFFFFC0];
	v45 =	vcvt.s32.f32 v45  }
0xbd: {  	v29 =	vcvt.s32.f32 v29;
	v25 =	vshll.u32 v25, $0x4;
	[tilespmem:v15+s23+$0x0] =	vst.idx.add.f32.msk $0xffff, v20;
	v20 =	vmul.f32 $2.586843540e-22, v36  }
0xbe: {  	v12 =	vmul.f32 v42, v12;
	[tilespmem:v15+s24+$0x0] =	vst.idx.add.f32.msk $0xffff, v42;
	v42 =	vmul.f32 $2.586843540e-22, v45  }
0xbf: {  	v23 =	vor.u32 v3, v23;
	v38 =	vcvt.s32.f32 v38;
	v46 =	vmul.f32 v37, v21;
	[tilespmem:v22+s24+$0x0] =	vst.idx.add.f32.msk $0xffff, v44  }
0xc0: {  	v18 =	vmul.f32 v30, v18;
	v42 =	vadd.f32 $-8.081770900e-15, v42;
	[tilespmem:v39+s23+$0x0] =	vst.idx.add.f32.msk $0xffff, v19;
	v19 =	vmul.f32 v32, v28  }
0xc1: {  	v43 =	vadd.f32 $1.687590160e-07, v43;
	v47 =	vmul.f32 $2.586843540e-22, v38;
	v24 =	vmul.f32 v44, v24;
	[tilespmem:v39+s24+$0x0] =	vst.idx.add.f32.msk $0xffff, v30  }
0xc2: {  	v4 =	vor.u32 v3, v4;
	v34 =	vadd.f32 $1.687590160e-07, v34;
	v30 =	vld.idx.msk [tilespmem:v35+s17+$0x0], $0xffff;
	v35 =	vmul.f32 v45, v42  }
0xc3: {  	v42 =	vcvt.s32.f32 v9;
	v9 =	vadd.f32 $-8.081770900e-15, v47;
	[tilespmem:v22+s25+$0x0] =	vst.idx.add.f32.msk $0xffff, v24;
	v24 =	vshrl.u32 v28, $0x17  }
0xc4: {  	v31 =	vmul.f32 v31, v43;
	v32 =	vmul.f32 v19, v32;
	v35 =	vadd.f32 $1.687590160e-07, v35;
	[tilespmem:v23+s23+$0x0] =	vst.idx.add.f32.msk $0xffff, v28  }
0xc5: {  	v26 =	vshll.u32 v26, $0x4;
	v27 =	vmul.f32 v27, v34;
	v24 =	vcvt.s32.f32 v24;
	[tilespmem:v23+s24+$0x0] =	vst.idx.add.f32.msk $0xffff, v19  }
0xc6: {  	v9 =	vmul.f32 v38, v9;
	v19 =	vand.u32 $0x7FFFFF, v17;
	v28 =	vmul.f32 v45, v35;
	[tilespmem:v23+s25+$0x0] =	vst.idx.add.f32.msk $0xffff, v32  }
0xc7: {  	v19 =	vcvt.s32.f32 v19;
	v32 =	vmul.f32 v46, v37;
	[tilespmem:v4+s23+$0x0] =	vst.idx.add.f32.msk $0xffff, v21;
	v21 =	vshrl.u32 v33, $0x17  }
0xc8: {  	v33 =	vmul.f32 $2.586843540e-22, v13;
	[tilespmem:v4+s24+$0x0] =	vst.idx.add.f32.msk $0xffff, v46;
	v21 =	vcvt.s32.f32 v21;
	v28 =	vadd.f32 $-1.269991760e+02, v28  }
0xc9: {  	v20 =	vadd.f32 $-8.081770900e-15, v20;
	v34 =	vadd.f32 $1.687590160e-07, v9;
	v9 =	vor.u32 v3, v25;
	[tilespmem:v4+s25+$0x0] =	vst.idx.add.f32.msk $0xffff, v32  }
0xca: {  	v25 =	vshll.u32 v30, $0x4;
	v30 =	vadd.f32 $-8.081770900e-15, v33;
	v21 =	vadd.f32 v21, v28;
	[tilespmem:v39+s25+$0x0] =	vst.idx.add.f32.msk $0xffff, v18  }
0xcb: {  	v26 =	vor.u32 v3, v26;
	v20 =	vmul.f32 v36, v20;
	v28 =	vshrl.u32 v17, $0x17;
	[tilespmem:v15+s25+$0x0] =	vst.idx.add.f32.msk $0xffff, v12  }
0xcc: {  	v12 =	vor.u32 v3, v25;
	v25 =	vmul.f32 v13, v30;
	[tilespmem:v22+s26+$0x0] =	vst.idx.add.f32.msk $0xffff, v21;
	v21 =	vadd.f32 $-1.269991760e+02, v27  }
0xcd: {  	v20 =	vadd.f32 $1.687590160e-07, v20;
	v22 =	vmul.f32 v38, v34;
	v27 =	vadd.f32 $-1.269991760e+02, v31;
	v18 =	vld [tilespmem:s16+$0xFFFFFFC0]  }
0xce: {  	v30 =	vmul.f32 $2.586843540e-22, v19;
	[tilespmem:v9+s23+$0x0] =	vst.idx.add.f32.msk $0xffff, v6;
	v6 =	vadd.f32 $1.687590160e-07, v25;
	v16 =	vadd.f32 v16, v21  }
0xcf: {  	v11 =	vcvt.s32.f32 v11;
	v21 =	vmul.f32 v14, v40;
	v25 =	vadd.f32 v29, v27;
	[tilespmem:v9+s24+$0x0] =	vst.idx.add.f32.msk $0xffff, v8  }
0xd0: {  	v27 =	vadd.f32 $-8.081770900e-15, v30;
	v22 =	vadd.f32 $-1.269991760e+02, v22;
	v6 =	vmul.f32 v13, v6;
	[tilespmem:v39+s26+$0x0] =	vst.idx.add.f32.msk $0xffff, v16  }
0xd1: {  	v20 =	vmul.f32 v36, v20;
	v13 =	vadd.f32 $1.687590160e-07, v21;
	v16 =	vmul.f32 v41, v7;
	[tilespmem:v26+s23+$0x0] =	vst.idx.add.f32.msk $0xffff, v7  }
0xd2: {  	v21 =	vmul.f32 v19, v27;
	v7 =	vadd.f32 v42, v22;
	[tilespmem:v12+s23+$0x0] =	vst.idx.add.f32.msk $0xffff, v17;
	v6 =	vadd.f32 $-1.269991760e+02, v6  }
0xd3: {  	v13 =	vmul.f32 v14, v13;
	v14 =	vmul.f32 v16, v41;
	[tilespmem:v15+s26+$0x0] =	vst.idx.add.f32.msk $0xffff, v25;
	v15 =	vadd.f32 $-1.269991760e+02, v20  }
.Ltmp5:
0xd4: {  	v20 =	vadd.f32 $1.687590160e-07, v21;
	v21 =	vmul.f32 v8, v5;
	v5 =	vadd.f32 v11, v6;
	[tilespmem:v26+s24+$0x0] =	vst.idx.add.f32.msk $0xffff, v16;
	(pc) =	sbr.rel @p0 .LBB2_13-.Ltmp5, $4  }
0xd5: {  	v8 =	vcvt.s32.f32 v28;
	v11 =	vadd.f32 $-1.269991760e+02, v13;
	[tilespmem:v26+s25+$0x0] =	vst.idx.add.f32.msk $0xffff, v14;
	v13 =	vadd.f32 v24, v15  }
0xd6: {  	v14 =	vmul.f32 v19, v20;
	[tilespmem:v26+s26+$0x0] =	vst.idx.add.f32.msk $0xffff, v5  }
0xd7: {  	v6 =	vmul.f32 v18, v17;
	v5 =	vadd.f32 v10, v11;
	[tilespmem:v23+s26+$0x0] =	vst.idx.add.f32.msk $0xffff, v13  }
0xd8: {  	s10 =	sadd.s32 $0x80, s10;
	s16 =	sadd.s32 $0x80, s16;
	v10 =	vadd.f32 $-1.269991760e+02, v14;
	[tilespmem:v9+s25+$0x0] =	vst.idx.add.f32.msk $0xffff, v21  }
0xd9: {  	_ =	sdelay $0x2  }
0xda: {  	p0 =	seq.s32 s3, $0xF  }
0xdb: {  	[tilespmem:v12+s24+$0x0] =	vst.idx.add.f32.msk $0xffff, v6;
	s0 =	sadd.s32 @!p0 $0x1, s3  }
0xdc: {  	v11 =	vmul.f32 v6, v18;
	[tilespmem:v4+s26+$0x0] =	vst.idx.add.f32.msk $0xffff, v7;
	s1 =	sshll.u32 @!p0 s0, $0x14  }
0xdd: {  	[tilespmem:v9+s26+$0x0] =	vst.idx.add.f32.msk $0xffff, v5;
	v4 =	vadd.f32 v8, v10;
	s1 =	sor.u32 @!p0 s8, s1  }
0xde: {  	s9 =	simm.s32 @!p0 $0x10;
	[tilespmem:v12+s25+$0x0] =	vst.idx.add.f32.msk $0xffff, v11;
	s1 =	sshrl.u32 @!p0 s1, $0x3  }
0xdf: {  	s10 =	simm.s32 @!p0 $0x200;
	s13 =	simm.s32 @!p0 $0x0;
	[tilespmem:v12+s26+$0x0] =	vst.idx.add.f32.msk $0xffff, v4;
	s2 =	sadd.s32 @!p0 s6, s1  }
0xe0: {  	[tilespmem:s13], [sflag:$0x1] =	stream.strided.gather @!p0 [hbm4b:s2+s9], $0x4000, s10, s9, $0x38;
	[tilespmem:$0x13100] =	vst v63  }
0xe1: {  	s1 =	sadd.s32 @!p0 s5, s1;
	s2 =	simm.s32 @!p0 $0x8000  }
0xe2: {  	[tilespmem:s2], [sflag:$0x1] =	stream.strided.gather @!p0 [hbm4b:s1+s9], $0x4000, s10, s9, $0x38;
	[tilespmem:$0x13100] =	vst v63  }
0xe3: {  	s0 =	sshll.u32 @!p0 s0, $0x8;
	s1 =	rddreg [dreg:$0x1]  }
0xe4: {  	s0 =	sadd.s32 @!p0 s1, s0;
	s1 =	simm.s32 @!p0 $0x10000  }
0xe5: {  	[tilespmem:s1], [sflag:$0x1] =	stream.linear.gather @!p0 [hbm4b:s0+s13], $0x400, $0x38;
	[tilespmem:$0x13100] =	vst v63  }
0xe6: {  	_ =	swait.ge [sflag:s28], $0x4000  }
0xe7: {  	[sflag:s28] =	ssyncset.done $0x0  }
0xe8: {  	[sflag:s28] =	ssyncadd.s32 $0xFFFFC000  }
0xe9: {  	_ =	swait.ge [sflag:s28], $0x4000  }
0xea: {  	[sflag:s28] =	ssyncset.done $0x0  }
0xeb: {  	[sflag:s28] =	ssyncadd.s32 $0xFFFFC000  }
0xec: {  	_ =	swait.ge [sflag:s28], $0x400  }
0xed: {  	[sflag:s28] =	ssyncset.done $0x0  }
0xee: {  	s30 =	simm.s32 $0x10420;
	[sflag:s28] =	ssyncadd.s32 $0xFFFFFC00  }
0xef: {  	v7 =	vld [tilespmem:s30+$0x10];
	_ =	sdelay $0x4  }
0xf0: {  	v6 =	vld [tilespmem:s30+$0xFFFFFFE0]  }
0xf1: {  	v5 =	vld [tilespmem:s30+$0xFFFFFFF0]  }
0xf2: {  	s2 =	simm.s32 $0x4040;
	v4 =	vld [tilespmem:s30+$0x0]  }
0xf3: {  	s10 =	simm.s32 $0x10460;
	s1 =	simm.s32 $0x0;
	s0 =	simm.s32 $0xC040;
	[tilespmem:v7+s22+$0x0] =	vst.idx.add.f32.msk $0xffff, v1  }
.LBB2_15:
0xf4: {  	v7 =	vld [tilespmem:s10+$0x10];
	s1 =	sadd.s32 $0x4, s1  }
0xf5: {  	v8 =	vld [tilespmem:s10+$0xFFFFFFF0];
	p0 =	slt.u32 s1, $0x3C  }
0xf6: {  	v9 =	vld [tilespmem:s10+$0x0]  }
0xf7: {  	v10 =	vld [tilespmem:s10+$0xFFFFFFE0]  }
.Ltmp6:
0xf8: {  	[tilespmem:v6+s22+$0x0] =	vst.idx.add.f32.msk $0xffff, v1;
	(pc) =	sbr.rel @p0 .LBB2_15-.Ltmp6, $4  }
0xf9: {  	[tilespmem:v5+s22+$0x0] =	vst.idx.add.f32.msk $0xffff, v1  }
0xfa: {  	[tilespmem:v4+s22+$0x0] =	vst.idx.add.f32.msk $0xffff, v1;
	v5 =	vmov v8  }
0xfb: {  	v4 =	vmov v9  }
0xfc: {  	s9 =	simm.s32 $0x0;
	s10 =	sadd.s32 $0x40, s10;
	[tilespmem:v7+s22+$0x0] =	vst.idx.add.f32.msk $0xffff, v1;
	v6 =	vmov v10  }
0xfd: {  	_ =	sdelay $0x3  }
0xfe: {  	s1 =	simm.s32 $0x1;
	s10 =	simm.s32 $0x5;
	[tilespmem:v6+s22+$0x0] =	vst.idx.add.f32.msk $0xffff, v1  }
0xff: {  	s13 =	simm.s32 $0x4;
	[tilespmem:v5+s22+$0x0] =	vst.idx.add.f32.msk $0xffff, v1;
	s18 =	simm.s32 $0x6;
	s19 =	simm.s32 $0x3;
	v24 =	vmov s9;
	v6 =	vmov s1;
	v7 =	vmov s10  }
0x100: {  	[tilespmem:v4+s22+$0x0] =	vst.idx.add.f32.msk $0xffff, v1;
	s30 =	simm.s32 $0x2;
	v8 =	vmov s13;
	v11 =	vmov s18;
	v14 =	vmov s19  }
0x101: {  	s16 =	simm.s32 $0x7;
	v12 =	vld [tilespmem:s0+$0x0];
	v16 =	vmov s30;
	v24 =	vshrl.u32 v24, $0x3;
	v5 =	vshrl.u32 v7, $0x3  }
0x102: {  	v17 =	vld [tilespmem:s2+$0x0];
	v7 =	vmov s16;
	v4 =	vshrl.u32 v6, $0x3;
	v8 =	vshrl.u32 v8, $0x3  }
0x103: {  	v23 =	vld [tilespmem:s2+$0x30];
	v11 =	vshrl.u32 v11, $0x3;
	v14 =	vshrl.u32 v14, $0x3;
	v24 =	vshll.u32 v24, v2  }
0x104: {  	v31 =	vld [tilespmem:s0+$0x10];
	v5 =	vshll.u32 v5, v2;
	v6 =	vshrl.u32 v7, $0x3;
	v4 =	vshll.u32 v4, v2  }
0x105: {  	v49 =	vld [tilespmem:s2+$0xFFFFFFD0];
	v8 =	vshll.u32 v8, v2;
	v11 =	vshll.u32 v11, v2;
	v24 =	vbroadcast v24, $0x0  }
0x106: {  	v33 =	vld [tilespmem:s2+$0x10];
	v9 =	vadd.s32 $0x5, v5;
	v6 =	vshll.u32 v6, v2;
	v4 =	vadd.s32 $0x1, v4  }
0x107: {  	v34 =	vld [tilespmem:s0+$0x30];
	v8 =	vadd.s32 $0x4, v8;
	v9 =	vbroadcast v9, $0x0;
	v10 =	vadd.s32 $0x7, v6  }
0x108: {  	v13 =	vld [tilespmem:s0+$0x20];
	v4 =	vbroadcast v4, $0x0;
	v15 =	vbroadcast v8, $0x0;
	v8 =	vadd.s32 $0x6, v11  }
0x109: {  	v7 =	vld [tilespmem:s2+$0xFFFFFFE0];
	v14 =	vshll.u32 v14, v2;
	v10 =	vbroadcast v10, $0x0;
	v18 =	vbroadcast v8, $0x0  }
0x10a: {  	v37 =	vld [tilespmem:s0+$0xFFFFFFD0];
	v8 =	vshrl.u32 v16, $0x3;
	v28 =	vshrl.u32 v17, $0x17;
	v29 =	vand.u32 $0x7FFFFF, v17  }
0x10b: {  	v6 =	vld [tilespmem:s2+$0xFFFFFFF0];
	v36 =	vand.u32 $0x7FFFFF, v23;
	v38 =	vand.u32 $0x7FFFFF, v49;
	v42 =	vmul.f32 v12, v17  }
0x10c: {  	v11 =	vld [tilespmem:s2+$0x20];
	v41 =	vand.u32 $0x7FFFFF, v33;
	v45 =	vmul.f32 v31, v33;
	v51 =	vmul.f32 v34, v23  }
0x10d: {  	v56 =	vshrl.u32 v33, $0x17;
	v8 =	vshll.u32 v8, v2;
	v36 =	vcvt.s32.f32 v36;
	v16 =	vld.idx.msk [tilespmem:v9+s20+$0x0], $0xffff  }
0x10e: {  	v41 =	vcvt.s32.f32 v41;
	v28 =	vcvt.s32.f32 v28;
	v21 =	vand.u32 $0x7FFFFF, v7;
	v15 =	vld.idx.msk [tilespmem:v15+s20+$0x0], $0xffff  }
0x10f: {  	v12 =	vmul.f32 v42, v12;
	v31 =	vmul.f32 v45, v31;
	v9 =	vadd.s32 $0x3, v14;
	v4 =	vld.idx.msk [tilespmem:v4+s20+$0x0], $0xffff  }
0x110: {  	v39 =	vld [tilespmem:s0+$0xFFFFFFF0];
	v34 =	vmul.f32 v51, v34;
	v14 =	vadd.s32 $0x2, v8;
	v20 =	vbroadcast v9, $0x0  }
0x111: {  	v5 =	vld [tilespmem:s0+$0xFFFFFFE0];
	v19 =	vshrl.u32 v7, $0x17;
	v21 =	vcvt.s32.f32 v21;
	v14 =	vbroadcast v14, $0x0  }
0x112: {  	v50 =	vmul.f32 $2.586843540e-22, v41;
	v46 =	vmul.f32 $2.586843540e-22, v36;
	v18 =	vld.idx.msk [tilespmem:v18+s20+$0x0], $0xffff;
	v16 =	vshll.u32 v16, $0x4  }
0x113: {  	v22 =	vshrl.u32 v6, $0x17;
	v10 =	vld.idx.msk [tilespmem:v10+s20+$0x0], $0xffff;
	v15 =	vshll.u32 v15, $0x4;
	v16 =	vor.u32 v3, v16  }
0x114: {  	v43 =	vld [tilespmem:s2+$0xFFFFFFC0];
	v26 =	vshrl.u32 v11, $0x17;
	v4 =	vshll.u32 v4, $0x4;
	v15 =	vor.u32 v3, v15  }
0x115: {  	v24 =	vld.idx.msk [tilespmem:v24+s20+$0x0], $0xffff;
	v27 =	vand.u32 $0x7FFFFF, v11;
	v30 =	vmul.f32 v13, v11;
	v4 =	vor.u32 v3, v4  }
0x116: {  	v8 =	vmul.f32 v5, v7;
	v27 =	vcvt.s32.f32 v27;
	v9 =	vand.u32 $0x7FFFFF, v6;
	v20 =	vld.idx.msk [tilespmem:v20+s20+$0x0], $0xffff  }
0x117: {  	v26 =	vcvt.s32.f32 v26;
	v25 =	vcvt.s32.f32 v9;
	v18 =	vshll.u32 v18, $0x4;
	v14 =	vld.idx.msk [tilespmem:v14+s20+$0x0], $0xffff  }
0x118: {  	v35 =	vmul.f32 $2.586843540e-22, v27;
	v10 =	vshll.u32 v10, $0x4;
	v40 =	vor.u32 v3, v18;
	[tilespmem:v16+s23+$0x0] =	vst.idx.add.f32.msk $0xffff, v33  }
0x119: {  	v9 =	vcvt.s32.f32 v19;
	v19 =	vcvt.s32.f32 v29;
	v47 =	vor.u32 v3, v10;
	[tilespmem:v15+s23+$0x0] =	vst.idx.add.f32.msk $0xffff, v17  }
0x11a: {  	v22 =	vcvt.s32.f32 v22;
	v35 =	vadd.f32 $-8.081770900e-15, v35;
	v18 =	vmul.f32 $2.586843540e-22, v21;
	[tilespmem:v4+s23+$0x0] =	vst.idx.add.f32.msk $0xffff, v49  }
0x11b: {  	v60 =	vadd.f32 $-8.081770900e-15, v46;
	v13 =	vmul.f32 v30, v13;
	v32 =	vmul.f32 $2.586843540e-22, v19;
	[tilespmem:v15+s24+$0x0] =	vst.idx.add.f32.msk $0xffff, v42  }
0x11c: {  	v17 =	vadd.f32 $-8.081770900e-15, v18;
	v18 =	vmul.f32 v27, v35;
	v35 =	vadd.f32 $-8.081770900e-15, v50;
	[tilespmem:v16+s24+$0x0] =	vst.idx.add.f32.msk $0xffff, v45  }
0x11d: {  	v61 =	vmul.f32 v36, v60;
	v32 =	vadd.f32 $-8.081770900e-15, v32;
	v10 =	vmul.f32 v37, v49;
	[tilespmem:v40+s23+$0x0] =	vst.idx.add.f32.msk $0xffff, v11  }
0x11e: {  	v58 =	vand.u32 $0x7FFFFF, v43;
	v57 =	vmul.f32 $2.586843540e-22, v25;
	[tilespmem:v47+s23+$0x0] =	vst.idx.add.f32.msk $0xffff, v23;
	v35 =	vmul.f32 v41, v35  }
0x11f: {  	v29 =	vcvt.s32.f32 v56;
	v63 =	vadd.f32 $1.687590160e-07, v61;
	v32 =	vmul.f32 v19, v32;
	[tilespmem:v4+s24+$0x0] =	vst.idx.add.f32.msk $0xffff, v10  }
0x120: {  	v24 =	vshll.u32 v24, $0x4;
	v59 =	vadd.f32 $-8.081770900e-15, v57;
	[tilespmem:v40+s24+$0x0] =	vst.idx.add.f32.msk $0xffff, v30;
	v53 =	vadd.f32 $1.687590160e-07, v35  }
0x121: {  	v55 =	vmul.f32 v10, v37;
	v32 =	vadd.f32 $1.687590160e-07, v32;
	v11 =	vshll.u32 v14, $0x4;
	[tilespmem:v16+s25+$0x0] =	vst.idx.add.f32.msk $0xffff, v31  }
0x122: {  	v14 =	vcvt.s32.f32 v38;
	[tilespmem:v47+s24+$0x0] =	vst.idx.add.f32.msk $0xffff, v51;
	v10 =	vor.u32 v3, v11;
	v31 =	vmul.f32 v41, v53  }
0x123: {  	v23 =	vshrl.u32 v23, $0x17;
	v19 =	vmul.f32 v19, v32;
	v20 =	vshll.u32 v20, $0x4;
	[tilespmem:v4+s25+$0x0] =	vst.idx.add.f32.msk $0xffff, v55  }
0x124: {  	v18 =	vadd.f32 $1.687590160e-07, v18;
	[tilespmem:v15+s25+$0x0] =	vst.idx.add.f32.msk $0xffff, v12;
	v20 =	vor.u32 v3, v20;
	v31 =	vadd.f32 $-1.269991760e+02, v31  }
0x125: {  	v12 =	vor.u32 v3, v24;
	v52 =	vmul.f32 $2.586843540e-22, v14;
	[tilespmem:v40+s25+$0x0] =	vst.idx.add.f32.msk $0xffff, v13;
	v13 =	vcvt.s32.f32 v58  }
0x126: {  	[tilespmem:v47+s25+$0x0] =	vst.idx.add.f32.msk $0xffff, v34;
	v19 =	vadd.f32 $-1.269991760e+02, v19;
	v18 =	vmul.f32 v27, v18;
	v29 =	vadd.f32 v29, v31  }
0x127: {  	v27 =	vmul.f32 v25, v59;
	v30 =	vadd.f32 $-8.081770900e-15, v52;
	v62 =	vmul.f32 $2.586843540e-22, v13;
	[tilespmem:v10+s23+$0x0] =	vst.idx.add.f32.msk $0xffff, v7  }
0x128: {  	v17 =	vmul.f32 v21, v17;
	v19 =	vadd.f32 v28, v19;
	[tilespmem:v16+s26+$0x0] =	vst.idx.add.f32.msk $0xffff, v29;
	v16 =	vadd.f32 $-1.269991760e+02, v18  }
0x129: {  	v11 =	vmul.f32 v14, v30;
	v7 =	vadd.f32 $1.687590160e-07, v27;
	v24 =	vadd.f32 $-8.081770900e-15, v62;
	[tilespmem:v20+s23+$0x0] =	vst.idx.add.f32.msk $0xffff, v6  }
0x12a: {  	v23 =	vcvt.s32.f32 v23;
	v17 =	vadd.f32 $1.687590160e-07, v17;
	[tilespmem:v15+s26+$0x0] =	vst.idx.add.f32.msk $0xffff, v19;
	v16 =	vadd.f32 v26, v16  }
0x12b: {  	[tilespmem:v10+s24+$0x0] =	vst.idx.add.f32.msk $0xffff, v8;
	v7 =	vmul.f32 v25, v7;
	v11 =	vadd.f32 $1.687590160e-07, v11;
	v24 =	vmul.f32 v13, v24  }
0x12c: {  	v44 =	vshrl.u32 v49, $0x17;
	[tilespmem:v40+s26+$0x0] =	vst.idx.add.f32.msk $0xffff, v16;
	v16 =	vmul.f32 v39, v6;
	v6 =	vmul.f32 v36, v63  }
0x12d: {  	v15 =	vmul.f32 v21, v17;
	v7 =	vadd.f32 $-1.269991760e+02, v7;
	v11 =	vmul.f32 v14, v11;
	v18 =	vld [tilespmem:s0+$0xFFFFFFC0]  }
0x12e: {  	v17 =	vadd.f32 $1.687590160e-07, v24;
	[tilespmem:v12+s23+$0x0] =	vst.idx.add.f32.msk $0xffff, v43;
	v14 =	vmul.f32 v16, v39;
	v6 =	vadd.f32 $-1.269991760e+02, v6  }
0x12f: {  	v54 =	vcvt.s32.f32 v44;
	v7 =	vadd.f32 v22, v7;
	[tilespmem:v20+s24+$0x0] =	vst.idx.add.f32.msk $0xffff, v16  }
0x130: {  	v11 =	vadd.f32 $-1.269991760e+02, v11;
	v13 =	vmul.f32 v13, v17;
	[tilespmem:v20+s25+$0x0] =	vst.idx.add.f32.msk $0xffff, v14;
	v6 =	vadd.f32 v23, v6  }
0x131: {  	v16 =	vshrl.u32 v43, $0x17;
	v14 =	vmul.f32 v8, v5;
	v8 =	vadd.f32 $-1.269991760e+02, v15;
	[tilespmem:v20+s26+$0x0] =	vst.idx.add.f32.msk $0xffff, v7  }
0x132: {  	v5 =	vcvt.s32.f32 v16;
	v7 =	vadd.f32 v54, v11;
	[tilespmem:v47+s26+$0x0] =	vst.idx.add.f32.msk $0xffff, v6  }
0x133: {  	s9 =	simm.s32 $0x8;
	s10 =	simm.s32 $0x40C0;
	s16 =	simm.s32 $0xC0C0;
	v6 =	vmul.f32 v18, v43;
	v8 =	vadd.f32 v9, v8;
	v9 =	vadd.f32 $-1.269991760e+02, v13;
	[tilespmem:v10+s25+$0x0] =	vst.idx.add.f32.msk $0xffff, v14  }
.LBB2_17:
0x134: {  	s1 =	sadd.s32 $0x1, s9  }
0x135: {  	s2 =	sadd.s32 $0x2, s9;
	s13 =	sadd.s32 $0x3, s9;
	v11 =	vmul.f32 v6, v18;
	[tilespmem:v12+s24+$0x0] =	vst.idx.add.f32.msk $0xffff, v6;
	s0 =	smov.u32 s9  }
0x136: {  	v13 =	vmov s1;
	v14 =	vmov s2;
	v6 =	vld [tilespmem:s10+$0xFFFFFFE0];
	v15 =	vmov s13;
	s1 =	sadd.s32 $0x4, s9;
	s2 =	sadd.s32 $0x5, s9;
	s13 =	sadd.s32 $0x6, s9  }
0x137: {  	p0 =	slt.u32 s9, $0x3F8;
	s9 =	sadd.s32 $0x8, s9;
	v9 =	vadd.f32 v5, v9;
	v16 =	vmov s1;
	v17 =	vmov s2;
	s1 =	sadd.s32 $0x7, s0;
	[tilespmem:v4+s26+$0x0] =	vst.idx.add.f32.msk $0xffff, v7  }
0x138: {  	v4 =	vshrl.u32 v13, $0x3;
	v5 =	vshrl.u32 v17, $0x3;
	v7 =	vmov s1;
	[tilespmem:v12+s25+$0x0] =	vst.idx.add.f32.msk $0xffff, v11  }
0x139: {  	v4 =	vshll.u32 v4, v2;
	v11 =	vshll.u32 v5, v2;
	v7 =	vshrl.u32 v7, $0x3;
	[tilespmem:v10+s26+$0x0] =	vst.idx.add.f32.msk $0xffff, v8  }
0x13a: {  	v8 =	vshrl.u32 v16, $0x3;
	v5 =	vld [tilespmem:s16+$0xFFFFFFE0];
	v10 =	vadd.s32 $0x5, v11;
	v7 =	vshll.u32 v7, v2  }
0x13b: {  	v4 =	vadd.s32 $0x1, v4;
	v10 =	vbroadcast v10, $0x0;
	v11 =	vadd.s32 $0x7, v7;
	[tilespmem:v12+s26+$0x0] =	vst.idx.add.f32.msk $0xffff, v9  }
0x13c: {  	v4 =	vbroadcast v4, $0x0;
	v9 =	vmov s13;
	v7 =	vld [tilespmem:s10+$0xFFFFFFF0];
	v12 =	vbroadcast v11, $0x0  }
0x13d: {  	v8 =	vshll.u32 v8, v2;
	v11 =	vshrl.u32 v14, $0x3;
	v9 =	vshrl.u32 v9, $0x3;
	v18 =	vld [tilespmem:s16+$0x0]  }
0x13e: {  	v8 =	vadd.s32 $0x4, v8;
	v11 =	vshll.u32 v11, v2;
	v9 =	vshll.u32 v9, v2;
	v19 =	vld [tilespmem:s16+$0x20]  }
0x13f: {  	v14 =	vbroadcast v8, $0x0;
	v13 =	vadd.s32 $0x2, v11;
	v8 =	vadd.s32 $0x6, v9;
	v20 =	vld [tilespmem:s10+$0x20]  }
0x140: {  	v9 =	vshrl.u32 v6, $0x17;
	v11 =	vshrl.u32 v15, $0x3;
	v15 =	vbroadcast v8, $0x0;
	v21 =	vld [tilespmem:s10+$0x0]  }
0x141: {  	v16 =	vand.u32 $0x7FFFFF, v6;
	v17 =	vshll.u32 v11, v2;
	v11 =	vshrl.u32 v7, $0x17;
	v10 =	vld.idx.msk [tilespmem:v10+s20+$0x0], $0xffff  }
0x142: {  	v8 =	vmul.f32 v5, v6;
	v17 =	vadd.s32 $0x3, v17;
	v22 =	vand.u32 $0x7FFFFF, v7;
	v12 =	vld.idx.msk [tilespmem:v12+s20+$0x0], $0xffff  }
0x143: {  	v23 =	vmov s0;
	v24 =	vbroadcast v13, $0x0;
	v17 =	vbroadcast v17, $0x0;
	v4 =	vld.idx.msk [tilespmem:v4+s20+$0x0], $0xffff  }
0x144: {  	v13 =	vcvt.s32.f32 v22;
	v22 =	vshrl.u32 v20, $0x17;
	v25 =	vand.u32 $0x7FFFFF, v20;
	v26 =	vld [tilespmem:s10+$0x30]  }
0x145: {  	v29 =	vmul.f32 v19, v20;
	v27 =	vld.idx.msk [tilespmem:v14+s20+$0x0], $0xffff;
	v28 =	vshrl.u32 v21, $0x17;
	v14 =	vand.u32 $0x7FFFFF, v21  }
0x146: {  	v9 =	vcvt.s32.f32 v9;
	v30 =	vcvt.s32.f32 v14;
	v31 =	vld.idx.msk [tilespmem:v15+s20+$0x0], $0xffff  }
0x147: {  	v15 =	vshrl.u32 v23, $0x3;
	v14 =	vcvt.s32.f32 v16;
	v16 =	vcvt.s32.f32 v22;
	v23 =	vld [tilespmem:s16+$0x10]  }
0x148: {  	v25 =	vcvt.s32.f32 v25;
	v12 =	vshll.u32 v12, $0x4;
	v22 =	vld [tilespmem:s10+$0xFFFFFFD0];
	v32 =	vmul.f32 $2.586843540e-22, v30  }
0x149: {  	v10 =	vshll.u32 v10, $0x4;
	v15 =	vshll.u32 v15, v2;
	v4 =	vshll.u32 v4, $0x4;
	v33 =	vld.idx.msk [tilespmem:v17+s20+$0x0], $0xffff  }
0x14a: {  	v34 =	vor.u32 v3, v10;
	v10 =	vmul.f32 $2.586843540e-22, v25;
	v17 =	vadd.f32 $-8.081770900e-15, v32;
	v32 =	vld [tilespmem:s10+$0x10]  }
0x14b: {  	v35 =	vbroadcast v15, $0x0;
	v15 =	vshll.u32 v27, $0x4;
	v27 =	vand.u32 $0x7FFFFF, v26;
	v24 =	vld.idx.msk [tilespmem:v24+s20+$0x0], $0xffff  }
0x14c: {  	v15 =	vor.u32 v3, v15;
	v31 =	vshll.u32 v31, $0x4;
	v27 =	vcvt.s32.f32 v27;
	v36 =	vld [tilespmem:s16+$0x30]  }
0x14d: {  	v10 =	vadd.f32 $-8.081770900e-15, v10;
	v31 =	vor.u32 v3, v31;
	v37 =	vld [tilespmem:s16+$0xFFFFFFD0];
	v38 =	vand.u32 $0x7FFFFF, v22  }
0x14e: {  	v42 =	vmul.f32 v18, v21;
	v40 =	vmul.f32 $2.586843540e-22, v14;
	v39 =	vshrl.u32 v22, $0x17;
	v41 =	vld [tilespmem:s16+$0xFFFFFFF0]  }
0x14f: {  	v43 =	vmul.f32 v30, v17;
	v44 =	vmul.f32 v23, v32;
	v45 =	vand.u32 $0x7FFFFF, v32;
	[tilespmem:v34+s23+$0x0] =	vst.idx.add.f32.msk $0xffff, v32  }
0x150: {  	v40 =	vadd.f32 $-8.081770900e-15, v40;
	v10 =	vmul.f32 v25, v10;
	v17 =	vld [tilespmem:s10+$0xFFFFFFC0];
	v45 =	vcvt.s32.f32 v45  }
0x151: {  	v28 =	vcvt.s32.f32 v28;
	v24 =	vshll.u32 v24, $0x4;
	[tilespmem:v15+s23+$0x0] =	vst.idx.add.f32.msk $0xffff, v21;
	v21 =	vmul.f32 $2.586843540e-22, v27  }
0x152: {  	v18 =	vmul.f32 v42, v18;
	[tilespmem:v15+s24+$0x0] =	vst.idx.add.f32.msk $0xffff, v42;
	v42 =	vmul.f32 $2.586843540e-22, v45  }
0x153: {  	v47 =	vor.u32 v3, v12;
	v38 =	vcvt.s32.f32 v38;
	v46 =	vmul.f32 v37, v22;
	[tilespmem:v34+s24+$0x0] =	vst.idx.add.f32.msk $0xffff, v44  }
0x154: {  	v19 =	vmul.f32 v29, v19;
	v12 =	vadd.f32 $-8.081770900e-15, v42;
	[tilespmem:v31+s23+$0x0] =	vst.idx.add.f32.msk $0xffff, v20;
	v20 =	vmul.f32 v36, v26  }
0x155: {  	v43 =	vadd.f32 $1.687590160e-07, v43;
	v23 =	vmul.f32 v44, v23;
	v42 =	vmul.f32 $2.586843540e-22, v38;
	[tilespmem:v31+s24+$0x0] =	vst.idx.add.f32.msk $0xffff, v29  }
0x156: {  	v4 =	vor.u32 v3, v4;
	v10 =	vadd.f32 $1.687590160e-07, v10;
	v29 =	vld.idx.msk [tilespmem:v35+s20+$0x0], $0xffff;
	v12 =	vmul.f32 v45, v12  }
0x157: {  	v35 =	vcvt.s32.f32 v39;
	v39 =	vadd.f32 $-8.081770900e-15, v42;
	[tilespmem:v34+s25+$0x0] =	vst.idx.add.f32.msk $0xffff, v23;
	v23 =	vshrl.u32 v26, $0x17  }
0x158: {  	v30 =	vmul.f32 v30, v43;
	v36 =	vmul.f32 v20, v36;
	v12 =	vadd.f32 $1.687590160e-07, v12;
	[tilespmem:v47+s23+$0x0] =	vst.idx.add.f32.msk $0xffff, v26  }
0x159: {  	v25 =	vmul.f32 v25, v10;
	v26 =	vshll.u32 v33, $0x4;
	v23 =	vcvt.s32.f32 v23;
	[tilespmem:v47+s24+$0x0] =	vst.idx.add.f32.msk $0xffff, v20  }
0x15a: {  	v10 =	vand.u32 $0x7FFFFF, v17;
	v20 =	vmul.f32 v38, v39;
	v12 =	vmul.f32 v45, v12;
	[tilespmem:v47+s25+$0x0] =	vst.idx.add.f32.msk $0xffff, v36  }
0x15b: {  	v33 =	vcvt.s32.f32 v10;
	v10 =	vmul.f32 v46, v37;
	[tilespmem:v4+s23+$0x0] =	vst.idx.add.f32.msk $0xffff, v22;
	v22 =	vshrl.u32 v32, $0x17  }
0x15c: {  	v32 =	vmul.f32 $2.586843540e-22, v13;
	[tilespmem:v4+s24+$0x0] =	vst.idx.add.f32.msk $0xffff, v46;
	v22 =	vcvt.s32.f32 v22;
	v12 =	vadd.f32 $-1.269991760e+02, v12  }
0x15d: {  	v21 =	vadd.f32 $-8.081770900e-15, v21;
	v20 =	vadd.f32 $1.687590160e-07, v20;
	[tilespmem:v4+s25+$0x0] =	vst.idx.add.f32.msk $0xffff, v10;
	v10 =	vor.u32 v3, v24  }
0x15e: {  	v24 =	vshll.u32 v29, $0x4;
	v29 =	vadd.f32 $-8.081770900e-15, v32;
	v22 =	vadd.f32 v22, v12;
	[tilespmem:v31+s25+$0x0] =	vst.idx.add.f32.msk $0xffff, v19  }
0x15f: {  	v21 =	vmul.f32 v27, v21;
	v26 =	vor.u32 v3, v26;
	v19 =	vshrl.u32 v17, $0x17;
	[tilespmem:v15+s25+$0x0] =	vst.idx.add.f32.msk $0xffff, v18  }
0x160: {  	v12 =	vor.u32 v3, v24;
	v24 =	vmul.f32 v13, v29;
	[tilespmem:v34+s26+$0x0] =	vst.idx.add.f32.msk $0xffff, v22;
	v22 =	vadd.f32 $-1.269991760e+02, v25  }
0x161: {  	v21 =	vadd.f32 $1.687590160e-07, v21;
	v20 =	vmul.f32 v38, v20;
	v25 =	vadd.f32 $-1.269991760e+02, v30;
	v18 =	vld [tilespmem:s16+$0xFFFFFFC0]  }
0x162: {  	v29 =	vmul.f32 $2.586843540e-22, v33;
	[tilespmem:v10+s23+$0x0] =	vst.idx.add.f32.msk $0xffff, v6;
	v6 =	vadd.f32 $1.687590160e-07, v24;
	v16 =	vadd.f32 v16, v22  }
0x163: {  	v11 =	vcvt.s32.f32 v11;
	v22 =	vmul.f32 v14, v40;
	v24 =	vadd.f32 v28, v25;
	[tilespmem:v10+s24+$0x0] =	vst.idx.add.f32.msk $0xffff, v8  }
0x164: {  	v20 =	vadd.f32 $-1.269991760e+02, v20;
	v25 =	vadd.f32 $-8.081770900e-15, v29;
	v6 =	vmul.f32 v13, v6;
	[tilespmem:v31+s26+$0x0] =	vst.idx.add.f32.msk $0xffff, v16  }
0x165: {  	v21 =	vmul.f32 v27, v21;
	v13 =	vadd.f32 $1.687590160e-07, v22;
	v16 =	vmul.f32 v41, v7;
	[tilespmem:v26+s23+$0x0] =	vst.idx.add.f32.msk $0xffff, v7  }
0x166: {  	v22 =	vmul.f32 v33, v25;
	v7 =	vadd.f32 v35, v20;
	[tilespmem:v12+s23+$0x0] =	vst.idx.add.f32.msk $0xffff, v17;
	v6 =	vadd.f32 $-1.269991760e+02, v6  }
0x167: {  	v13 =	vmul.f32 v14, v13;
	v14 =	vmul.f32 v16, v41;
	[tilespmem:v15+s26+$0x0] =	vst.idx.add.f32.msk $0xffff, v24;
	v15 =	vadd.f32 $-1.269991760e+02, v21  }
.Ltmp7:
0x168: {  	v20 =	vadd.f32 $1.687590160e-07, v22;
	v21 =	vmul.f32 v8, v5;
	v6 =	vadd.f32 v11, v6;
	[tilespmem:v26+s24+$0x0] =	vst.idx.add.f32.msk $0xffff, v16;
	(pc) =	sbr.rel @p0 .LBB2_17-.Ltmp7, $4  }
0x169: {  	v5 =	vcvt.s32.f32 v19;
	v8 =	vadd.f32 $-1.269991760e+02, v13;
	[tilespmem:v26+s25+$0x0] =	vst.idx.add.f32.msk $0xffff, v14;
	v11 =	vadd.f32 v23, v15  }
0x16a: {  	v13 =	vmul.f32 v33, v20;
	[tilespmem:v26+s26+$0x0] =	vst.idx.add.f32.msk $0xffff, v6  }
0x16b: {  	v6 =	vmul.f32 v18, v17;
	v8 =	vadd.f32 v9, v8;
	[tilespmem:v47+s26+$0x0] =	vst.idx.add.f32.msk $0xffff, v11  }
0x16c: {  	s10 =	sadd.s32 $0x80, s10;
	s16 =	sadd.s32 $0x80, s16;
	v9 =	vadd.f32 $-1.269991760e+02, v13;
	[tilespmem:v10+s25+$0x0] =	vst.idx.add.f32.msk $0xffff, v21  }
0x16d: {  	_ =	sdelay $0x3  }
0x16e: {  	[tilespmem:v12+s24+$0x0] =	vst.idx.add.f32.msk $0xffff, v6  }
0x16f: {  	v11 =	vmul.f32 v6, v18;
	[tilespmem:v4+s26+$0x0] =	vst.idx.add.f32.msk $0xffff, v7  }
0x170: {  	[tilespmem:v10+s26+$0x0] =	vst.idx.add.f32.msk $0xffff, v8;
	v4 =	vadd.f32 v5, v9  }
0x171: {  	p0 =	seq.s32 s3, $0x0;
	[tilespmem:v12+s25+$0x0] =	vst.idx.add.f32.msk $0xffff, v11  }
0x172: {  	s0 =	simm.s32 @!p0 $0x3;
	[tilespmem:v12+s26+$0x0] =	vst.idx.add.f32.msk $0xffff, v4  }
0x173: {  	_ =	swait.ge @!p0 [sflag:s0], $0x800  }
0x174: {  	[sflag:s0] =	ssyncset.done @!p0 $0x0  }
0x175: {  	[sflag:s0] =	ssyncadd.s32 @!p0 $0xFFFFF800  }
0x176: {  	_ =	swait.ge @!p0 [sflag:s0], $0x80  }
0x177: {  	[sflag:s0] =	ssyncset.done @!p0 $0x0  }
0x178: {  	s1 =	simm.s32 $0x13090;
	[sflag:s0] =	ssyncadd.s32 @!p0 $0xFFFFFF80  }
0x179: {  	s13 =	simm.s32 $0x0;
	s16 =	simm.s32 $0x128A0;
	[tilespmem:s1+$0xFFFFFFF0] =	vst v0  }
.LBB2_19:
0x17a: {  	s13 =	sadd.s32 $0x2, s13  }
0x17b: {  	[tilespmem:s1+$0x0] =	vst v0;
	s1 =	sadd.s32 $0x20, s1;
	p0 =	slt.u32 s13, $0x6  }
.Ltmp8:
0x17c: {  	[tilespmem:s1+$0xFFFFFFF0] =	vst v0;
	(pc) =	sbr.rel @p0 .LBB2_19-.Ltmp8, $3  }
0x17d: {  	_ =	sdelay $0x1  }
0x17e: {  	s10 =	simm.s32 $0x10820  }
0x17f: {  	s2 =	simm.s32 $0x11020;
	s0 =	simm.s32 $0x11820;
	s9 =	simm.s32 $0x12020  }
0x180: {  	[tilespmem:s1+$0x0] =	vst v0  }
0x181: {  	v12 =	vld [tilespmem:s10+$0xFFFFFFE0]  }
0x182: {  	v11 =	vld [tilespmem:s10+$0x0]  }
0x183: {  	v9 =	vld [tilespmem:s10+$0x10]  }
0x184: {  	v15 =	vld [tilespmem:s10+$0xFFFFFFF0]  }
0x185: {  	s18 =	simm.s32 $0x2  }
0x186: {  	v5 =	vmov s18  }
0x187: {  	v7 =	vand.u32 $0xFFFFFFFE, v5;
	(erf) = vrcp.f32 v11  }
0x188: {  	v4 =	vand.u32 $0x7FFFFF, v12;
	v5 =	vand.u32 $0x7FFFFF, v9;
	(erf) = vrcp.f32 v9  }
0x189: {  	s13 =	simm.s32 $0x3;
	v14 =	vshrl.u32 v11, $0x17;
	v19 =	vand.u32 $0x7FFFFF, v15;
	v6 =	vor.u32 $0x3F800000, v4  }
0x18a: {  	s19 =	simm.s32 $0x1;
	v4 =	vmov s13;
	v8 =	vor.u32 $0x3F800000, v5;
	v13 =	vadd.f32 $-1.000000000e+00, v6  }
0x18b: {  	v17 =	vcvt.s32.f32 v14;
	v6 =	vmov s19;
	v8 =	vadd.f32 $-1.000000000e+00, v8  }
0x18c: {  	v19 =	vor.u32 $0x3F800000, v19;
	v6 =	vand.u32 $0xFFFFFFFD, v6;
	v10 =	vmul.f32 $2.456853540e-02, v13  }
0x18d: {  	v18 =	vld [tilespmem:s2+$0x10];
	v5 =	vbroadcast v6, $0x0;
	v6 =	vand.u32 $0x7FFFFF, v11;
	v14 =	vmul.f32 $2.456853540e-02, v8  }
0x18e: {  	v16 =	vor.u32 $0x3F800000, v6;
	v6 =	vsub.f32 $1.176130850e-01, v10;
	v10 =	vshrl.u32 v9, $0x17  }
0x18f: {  	(erf) = vrcp.f32 v12;
	v22 =	vsub.f32 $1.176130850e-01, v14;
	v25 =	vcvt.s32.f32 v10  }
0x190: {  	v20 =	vld [tilespmem:s2+$0x0];
	v21 =	vmul.f32 v6, v13;
	v6 =	vbroadcast v7, $0x0;
	v7 =	vshrl.u32 v12, $0x17;
	v23 =	vpop (erf)  }
0x191: {  	v10 =	vadd.f32 $-1.000000000e+00, v16;
	v24 =	vcvt.s32.f32 v7;
	(erf) = vrcp.f32 v15;
	v14 =	vpop (erf)  }
0x192: {  	v7 =	vadd.f32 $-2.726975680e-01, v21;
	v21 =	vshrl.u32 v15, $0x17;
	v16 =	vmul.f32 v14, v18  }
0x193: {  	v14 =	vadd.f32 $-1.000000000e+00, v19;
	v19 =	vmul.f32 v22, v8;
	v22 =	vmul.f32 $2.456853540e-02, v10  }
0x194: {  	v21 =	vcvt.s32.f32 v21;
	v24 =	vadd.f32 $-1.270000000e+02, v24;
	v18 =	vmul.f32 v7, v13  }
0x195: {  	v7 =	vmul.f32 v23, v20;
	v20 =	vld [tilespmem:s2+$0xFFFFFFE0];
	v23 =	vmul.f32 v16, v9;
	v9 =	vadd.f32 $-1.270000000e+02, v17  }
0x196: {  	s30 =	simm.s32 $0x0;
	v17 =	vmul.f32 $2.456853540e-02, v14;
	v22 =	vsub.f32 $1.176130850e-01, v22;
	v18 =	vadd.f32 $4.545084830e-01, v18;
	v26 =	vld.idx.msk [tilespmem:v6+s22+$0x0], $0xffff  }
0x197: {  	v19 =	vadd.f32 $-2.726975680e-01, v19;
	v27 =	vmul.f32 v7, v11;
	v11 =	vmov s30  }
0x198: {  	v28 =	vld [tilespmem:s2+$0xFFFFFFF0];
	v17 =	vsub.f32 $1.176130850e-01, v17;
	v23 =	vmul.f32 v23, v16;
	v18 =	vmul.f32 v18, v13  }
0x199: {  	v29 =	vpop (erf);
	v11 =	vand.u32 $0xFFFFFFFC, v11;
	v22 =	vmul.f32 v22, v10;
	v19 =	vmul.f32 v19, v8  }
0x19a: {  	v31 =	vld [tilespmem:s0+$0x10];
	v29 =	vmul.f32 v29, v20;
	v17 =	vmul.f32 v17, v14;
	v18 =	vadd.f32 $-7.173127530e-01, v18  }
0x19b: {  	v11 =	vbroadcast v11, $0x0;
	v20 =	vld.idx.msk [tilespmem:v4+s22+$0x0], $0xffff;
	v19 =	vadd.f32 $4.545084830e-01, v19;
	v26 =	vmax.f32 v26, $1.000000000e+00  }
0x19c: {  	v30 =	vpop (erf);
	v12 =	vmul.f32 v29, v12;
	v17 =	vadd.f32 $-2.726975680e-01, v17;
	v18 =	vmul.f32 v18, v13  }
0x19d: {  	v28 =	vmul.f32 v30, v28;
	v19 =	vmul.f32 v19, v8;
	v26 =	vsub.f32 $1.000000000e+00, v26  }
0x19e: {  	v30 =	vld.idx.msk [tilespmem:v5+s22+$0x0], $0xffff;
	v32 =	vmul.f32 v12, v29;
	v12 =	vmul.f32 v17, v14;
	v18 =	vadd.f32 $1.442453500e+00, v18  }
0x19f: {  	v33 =	vld [tilespmem:s9+$0xFFFFFFE0];
	v15 =	vmul.f32 v28, v15;
	v17 =	vsub.f32 v23, v31;
	v19 =	vadd.f32 $-7.173127530e-01, v19  }
0x1a0: {  	v34 =	vmax.f32 v20, $1.000000000e+00;
	v20 =	vmul.f32 $1.837877040e+00, v26;
	v26 =	vld [tilespmem:s0+$0xFFFFFFE0];
	v18 =	vmul.f32 v18, v13  }
0x1a1: {  	v23 =	vld [tilespmem:s0+$0xFFFFFFF0];
	v12 =	vadd.f32 $4.545084830e-01, v12;
	v13 =	vadd.f32 $-1.270000000e+02, v21  }
0x1a2: {  	v35 =	vld.idx.msk [tilespmem:v11+s22+$0x0], $0xffff;
	v15 =	vmul.f32 v15, v28;
	v21 =	vadd.f32 $-2.726975680e-01, v22;
	v18 =	vadd.f32 $2.443438690e-06, v18  }
0x1a3: {  	v22 =	vmul.f32 v27, v7;
	v27 =	vmax.f32 v30, $1.000000000e+00;
	v12 =	vmul.f32 v12, v14  }
0x1a4: {  	v27 =	vsub.f32 $1.000000000e+00, v27;
	v21 =	vmul.f32 v21, v10;
	v18 =	vadd.f32 v18, v24  }
0x1a5: {  	[tilespmem:s16+$0xFFFFFFE0] =	vst v29;
	v29 =	vmul.f32 v19, v8;
	v12 =	vadd.f32 $-7.173127530e-01, v12;
	v19 =	vsub.f32 v32, v26  }
0x1a6: {  	v63 =	vadd.f32 $4.545084830e-01, v21;
	v30 =	vsub.f32 v33, v18  }
0x1a7: {  	s10 =	simm.s32 $0x12060;
	v24 =	vmax.f32 v35, $1.000000000e+00;
	v31 =	vmul.f32 v12, v14;
	v12 =	vsub.f32 v15, v23  }
0x1a8: {  	s18 =	simm.s32 $0x10860;
	s13 =	simm.s32 $0x128E0;
	s2 =	simm.s32 $0x11860;
	v26 =	vld [tilespmem:s0+$0x0];
	v33 =	vmul.f32 v63, v10;
	v21 =	vmul.f32 $6.931471820e-01, v30;
	v30 =	vsub.f32 $1.000000000e+00, v24  }
0x1a9: {  	v18 =	vld [tilespmem:s9+$0x10];
	[tilespmem:s16+$0x10] =	vst v16;
	v16 =	vmul.f32 $1.837877040e+00, v27;
	v23 =	vadd.f32 $1.442453500e+00, v31;
	v24 =	vadd.f32 $-1.270000000e+02, v25  }
0x1aa: {  	s19 =	simm.s32 $0x4;
	s0 =	simm.s32 $0x11060;
	v15 =	vld [tilespmem:s9+$0xFFFFFFF0];
	[tilespmem:s16+$0xFFFFFFF0] =	vst v28;
	v25 =	vsub.f32 $1.000000000e+00, v34;
	v28 =	vadd.f32 $-7.173127530e-01, v33;
	v27 =	vmul.f32 $1.837877040e+00, v30  }
.LBB2_21:
0x1ab: {  	s4 =	sadd.s32 $0x2, s19  }
0x1ac: {  	v30 =	vld [tilespmem:s18+$0x0];
	s7 =	sadd.s32 $0x3, s19;
	v23 =	vmul.f32 v23, v14;
	v14 =	vadd.f32 $1.442453500e+00, v29;
	v29 =	vmul.f32 $1.837877040e+00, v25;
	s30 =	smov.u32 s19;
	s1 =	sadd.s32 $0x4, s19  }
0x1ad: {  	p0 =	slt.u32 s19, $0x7C;
	s11 =	sadd.s32 $0x1, s30;
	v31 =	vmov s4;
	v32 =	vld [tilespmem:s18+$0x10];
	v25 =	vmov s7;
	v27 =	vadd.f32 v21, v27  }
0x1ae: {  	v21 =	vld [tilespmem:s18+$0xFFFFFFF0];
	v33 =	vmov s11;
	v31 =	vand.u32 $0xFFFFFFFE, v31;
	v8 =	vmul.f32 v14, v8  }
0x1af: {  	v28 =	vmul.f32 v28, v10;
	v14 =	vand.u32 $0xFFFFFFFD, v33;
	v27 =	vadd.f32 v27, v19  }
0x1b0: {  	v19 =	vbroadcast v14, $0x0;
	v22 =	vsub.f32 v22, v26;
	v8 =	vadd.f32 $2.443438690e-06, v8  }
0x1b1: {  	v28 =	vadd.f32 $1.442453500e+00, v28;
	v26 =	vld [tilespmem:s18+$0xFFFFFFE0];
	v14 =	vshrl.u32 v30, $0x17;
	(erf) = vrcp.f32 v30  }
0x1b2: {  	v33 =	vand.u32 $0x7FFFFF, v32;
	(erf) = vrcp.f32 v32;
	v8 =	vadd.f32 v8, v24  }
0x1b3: {  	v10 =	vmul.f32 v28, v10;
	v24 =	vand.u32 $0x7FFFFF, v30;
	v33 =	vor.u32 $0x3F800000, v33  }
0x1b4: {  	v28 =	vor.u32 $0x3F800000, v24;
	v24 =	vshrl.u32 v32, $0x17;
	v18 =	vsub.f32 v18, v8  }
0x1b5: {  	v35 =	vcvt.s32.f32 v14;
	v34 =	vand.u32 $0x7FFFFF, v21;
	v8 =	vadd.f32 $-1.000000000e+00, v33;
	v14 =	vld [tilespmem:s9+$0x0];
	s9 =	smov.u32 s10  }
0x1b6: {  	v10 =	vadd.f32 $2.443438690e-06, v10;
	v34 =	vor.u32 $0x3F800000, v34;
	v33 =	vand.u32 $0x7FFFFF, v26;
	v36 =	vld [tilespmem:s0+$0x0]  }
0x1b7: {  	v37 =	vmul.f32 $2.456853540e-02, v8;
	v18 =	vmul.f32 $6.931471820e-01, v18;
	v33 =	vor.u32 $0x3F800000, v33  }
0x1b8: {  	v9 =	vadd.f32 v10, v9;
	v33 =	vadd.f32 $-1.000000000e+00, v33;
	v38 =	vld [tilespmem:s0+$0x10];
	(erf) = vrcp.f32 v26  }
0x1b9: {  	v31 =	vbroadcast v31, $0x0;
	v37 =	vsub.f32 $1.176130850e-01, v37;
	v18 =	vadd.f32 v18, v29  }
0x1ba: {  	v10 =	vshrl.u32 v26, $0x17;
	v29 =	vmul.f32 $2.456853540e-02, v33;
	v39 =	vpop (erf);
	v9 =	vsub.f32 v14, v9  }
0x1bb: {  	v41 =	vshrl.u32 v21, $0x17;
	v24 =	vcvt.s32.f32 v24;
	v40 =	vcvt.s32.f32 v10;
	v14 =	vpop (erf)  }
0x1bc: {  	v27 =	vmul.f32 $5.000000000e-01, v27;
	v29 =	vsub.f32 $1.176130850e-01, v29;
	(erf) = vrcp.f32 v21  }
0x1bd: {  	v10 =	vadd.f32 $-1.000000000e+00, v28;
	v28 =	vmul.f32 v14, v38;
	v38 =	vmul.f32 $6.931471820e-01, v9  }
0x1be: {  	v14 =	vadd.f32 $-1.000000000e+00, v34;
	v34 =	vmul.f32 v37, v8;
	v29 =	vmul.f32 v29, v33;
	[tilespmem:v11+s29+$0x0] =	vst.idx.add.f32.msk $0xffff, v27  }
0x1bf: {  	v9 =	vadd.f32 $-1.270000000e+02, v35;
	v27 =	vmul.f32 v39, v36;
	v11 =	vld.idx.msk [tilespmem:v31+s22+$0x0], $0xffff;
	v20 =	vadd.f32 v38, v20  }
0x1c0: {  	v36 =	vmul.f32 $2.456853540e-02, v10;
	v32 =	vmul.f32 v28, v32;
	v35 =	vld [tilespmem:s0+$0xFFFFFFE0];
	v29 =	vadd.f32 $-2.726975680e-01, v29  }
0x1c1: {  	v17 =	vadd.f32 v18, v17;
	v37 =	vmul.f32 $2.456853540e-02, v14;
	v30 =	vmul.f32 v27, v30;
	v38 =	vpop (erf)  }
0x1c2: {  	v18 =	vmov s30;
	v36 =	vsub.f32 $1.176130850e-01, v36;
	v29 =	vmul.f32 v29, v33  }
0x1c3: {  	v37 =	vsub.f32 $1.176130850e-01, v37;
	v32 =	vmul.f32 v32, v28;
	v20 =	vadd.f32 v20, v22  }
0x1c4: {  	v22 =	vand.u32 $0xFFFFFFFC, v18;
	v36 =	vmul.f32 v36, v10;
	v29 =	vadd.f32 $4.545084830e-01, v29;
	v39 =	vld [tilespmem:s0+$0xFFFFFFF0]  }
0x1c5: {  	v34 =	vadd.f32 $-2.726975680e-01, v34;
	v20 =	vmul.f32 $5.000000000e-01, v20;
	v35 =	vmul.f32 v38, v35;
	v18 =	vld [tilespmem:s10+$0x10];
	v38 =	vpop (erf)  }
0x1c6: {  	v17 =	vmul.f32 $5.000000000e-01, v17;
	v11 =	vmax.f32 v11, $1.000000000e+00;
	v29 =	vmul.f32 v29, v33;
	v42 =	vld.idx.msk [tilespmem:v25+s22+$0x0], $0xffff;
	[tilespmem:s16+$0x0] =	vst v7;
	v7 =	vmovc v27;
	s16 =	smov.u32 s13  }
0x1c7: {  	v23 =	vadd.f32 $2.443438690e-06, v23;
	v27 =	vsub.f32 $1.000000000e+00, v11;
	v26 =	vmul.f32 v35, v26;
	[tilespmem:v6+s29+$0x0] =	vst.idx.add.f32.msk $0xffff, v20;
	v6 =	vmovc v31  }
0x1c8: {  	v11 =	vbroadcast v22, $0x0;
	v22 =	vmul.f32 v37, v14;
	v20 =	vadd.f32 $-7.173127530e-01, v29;
	[tilespmem:v4+s29+$0x0] =	vst.idx.add.f32.msk $0xffff, v17;
	v4 =	vmovc v25  }
0x1c9: {  	v13 =	vadd.f32 v23, v13;
	v29 =	vmul.f32 v34, v8;
	v25 =	vmul.f32 v38, v39;
	v17 =	vld [tilespmem:s2+$0x10]  }
0x1ca: {  	v23 =	vadd.f32 $-1.270000000e+02, v40;
	v22 =	vadd.f32 $-2.726975680e-01, v22;
	v20 =	vmul.f32 v20, v33;
	[tilespmem:s13+$0x10] =	vst v28  }
0x1cb: {  	v13 =	vsub.f32 v15, v13;
	v31 =	vcvt.s32.f32 v41;
	v29 =	vadd.f32 $4.545084830e-01, v29;
	v28 =	vld.idx.msk [tilespmem:v19+s22+$0x0], $0xffff  }
0x1cc: {  	v26 =	vmul.f32 v26, v35;
	v34 =	vld [tilespmem:s10+$0xFFFFFFE0];
	v15 =	vadd.f32 $1.442453500e+00, v20;
	v20 =	vmul.f32 v22, v14  }
0x1cd: {  	v39 =	vmul.f32 $6.931471820e-01, v13;
	v21 =	vmul.f32 v25, v21;
	v38 =	vmax.f32 v42, $1.000000000e+00;
	v37 =	vld [tilespmem:s2+$0xFFFFFFE0]  }
0x1ce: {  	v29 =	vmul.f32 v29, v8;
	v40 =	vld.idx.msk [tilespmem:v11+s22+$0x0], $0xffff;
	v15 =	vmul.f32 v15, v33;
	v17 =	vsub.f32 v32, v17  }
0x1cf: {  	v13 =	vadd.f32 $-1.270000000e+02, v31;
	v31 =	vmul.f32 v21, v25;
	v20 =	vadd.f32 $4.545084830e-01, v20;
	[tilespmem:s13+$0xFFFFFFE0] =	vst v35  }
0x1d0: {  	v16 =	vadd.f32 v39, v16;
	v22 =	vmul.f32 v30, v7;
	v21 =	vadd.f32 $2.443438690e-06, v15;
	v15 =	vld [tilespmem:s10+$0xFFFFFFF0]  }
0x1d1: {  	v33 =	vadd.f32 $-2.726975680e-01, v36;
	v32 =	vmul.f32 v20, v14;
	v28 =	vmax.f32 v28, $1.000000000e+00;
	v30 =	vld [tilespmem:s2+$0xFFFFFFF0]  }
0x1d2: {  	v12 =	vadd.f32 v16, v12;
	v20 =	vmul.f32 $1.837877040e+00, v27;
	v21 =	vadd.f32 v21, v23;
	[tilespmem:s13+$0xFFFFFFF0] =	vst v25  }
0x1d3: {  	v16 =	vadd.f32 $-7.173127530e-01, v32;
	v23 =	vmul.f32 v33, v10;
	v25 =	vadd.f32 $-7.173127530e-01, v29  }
0x1d4: {  	v28 =	vsub.f32 $1.000000000e+00, v28;
	v27 =	vmax.f32 v40, $1.000000000e+00;
	v21 =	vsub.f32 v34, v21  }
.Ltmp9:
0x1d5: {  	v32 =	vmul.f32 $5.000000000e-01, v12;
	v16 =	vmul.f32 v16, v14;
	v23 =	vadd.f32 $4.545084830e-01, v23;
	(pc) =	sbr.rel @p0 .LBB2_21-.Ltmp9, $4  }
0x1d6: {  	v24 =	vadd.f32 $-1.270000000e+02, v24;
	v21 =	vmul.f32 $6.931471820e-01, v21;
	v12 =	vsub.f32 v31, v30  }
0x1d7: {  	v27 =	vsub.f32 $1.000000000e+00, v27;
	v29 =	vmul.f32 v25, v8;
	v30 =	vmul.f32 v23, v10;
	[tilespmem:v5+s29+$0x0] =	vst.idx.add.f32.msk $0xffff, v32  }
0x1d8: {  	s19 =	smov.u32 s1;
	s10 =	sadd.s32 $0x40, s10;
	s13 =	sadd.s32 $0x40, s13;
	v25 =	vsub.f32 $1.000000000e+00, v38;
	v23 =	vadd.f32 $1.442453500e+00, v16;
	v16 =	vmul.f32 $1.837877040e+00, v28;
	v5 =	vmovc v19  }
0x1d9: {  	s18 =	sadd.s32 $0x40, s18;
	s0 =	sadd.s32 $0x40, s0;
	v27 =	vmul.f32 $1.837877040e+00, v27;
	v19 =	vsub.f32 v26, v37;
	v28 =	vadd.f32 $-7.173127530e-01, v30;
	v26 =	vld [tilespmem:s2+$0x0];
	s2 =	sadd.s32 $0x40, s2  }
0x1da: {  	_ = 	snop  }
0x1db: {  	v28 =	vmul.f32 v28, v10  }
0x1dc: {  	v29 =	vadd.f32 $1.442453500e+00, v29  }
0x1dd: {  	v28 =	vadd.f32 $1.442453500e+00, v28  }
0x1de: {  	v8 =	vmul.f32 v29, v8  }
0x1df: {  	v56 =	vmul.f32 v28, v10  }
0x1e0: {  	v57 =	vld [tilespmem:s9+$0x0];
	v14 =	vmul.f32 v23, v14;
	v8 =	vadd.f32 $2.443438690e-06, v8  }
0x1e1: {  	v10 =	vadd.f32 $2.443438690e-06, v56  }
0x1e2: {  	v58 =	vadd.f32 $2.443438690e-06, v14;
	v8 =	vadd.f32 v8, v24  }
0x1e3: {  	v9 =	vadd.f32 v10, v9  }
0x1e4: {  	v8 =	vsub.f32 v18, v8;
	v10 =	vadd.f32 v58, v13  }
0x1e5: {  	v9 =	vsub.f32 v57, v9  }
0x1e6: {  	v60 =	vmul.f32 $1.837877040e+00, v25;
	v8 =	vmul.f32 $6.931471820e-01, v8;
	v10 =	vsub.f32 v15, v10  }
0x1e7: {  	v59 =	vadd.f32 v21, v27;
	v9 =	vmul.f32 $6.931471820e-01, v9  }
0x1e8: {  	v61 =	vsub.f32 v22, v26;
	v8 =	vadd.f32 v8, v60;
	v10 =	vmul.f32 $6.931471820e-01, v10  }
0x1e9: {  	v13 =	vadd.f32 v59, v19;
	v9 =	vadd.f32 v9, v20  }
0x1ea: {  	v8 =	vadd.f32 v8, v17;
	v10 =	vadd.f32 v10, v16  }
0x1eb: {  	v13 =	vmul.f32 $5.000000000e-01, v13;
	v9 =	vadd.f32 v9, v61  }
0x1ec: {  	[tilespmem:s16+$0x0] =	vst v7;
	v62 =	vmul.f32 $5.000000000e-01, v8;
	v10 =	vadd.f32 v10, v12  }
0x1ed: {  	[tilespmem:v11+s29+$0x0] =	vst.idx.add.f32.msk $0xffff, v13;
	v9 =	vmul.f32 $5.000000000e-01, v9  }
0x1ee: {  	[tilespmem:v4+s29+$0x0] =	vst.idx.add.f32.msk $0xffff, v62;
	v63 =	vmul.f32 $5.000000000e-01, v10  }
0x1ef: {  	s0 =	sshll.u32 s3, $0x10;
	[tilespmem:v6+s29+$0x0] =	vst.idx.add.f32.msk $0xffff, v9  }
0x1f0: {  	s0 =	sor.u32 s8, s0;
	[tilespmem:v5+s29+$0x0] =	vst.idx.add.f32.msk $0xffff, v63  }
0x1f1: {  	s0 =	sshrl.u32 s0, $0x3;
	s1 =	rddreg [dreg:$0x4]  }
0x1f2: {  	s16 =	rddreg [dreg:$0x2];
	s1 =	sadd.s32 s1, s0  }
0x1f3: {  	[hbm4b:s1+s14] =	stream.strided.scatter [tilespmem:s23], [sflag:$0x3], $0x800, s15, s14, $0x38;
	[tilespmem:$0x13100] =	vst v63  }
0x1f4: {  	s18 =	simm.s32 $0x12880;
	s19 =	sshll.u32 s3, $0x4;
	s0 =	sadd.s32 s16, s0  }
0x1f5: {  	[hbm4b:s0+s14] =	stream.strided.scatter [tilespmem:s18], [sflag:$0x3], $0x800, s15, s14, $0x38;
	[tilespmem:$0x13100] =	vst v63  }
0x1f6: {  	s7 =	simm.s32 $0x0;
	s30 =	simm.s32 $0x11020;
	s0 =	sadd.s32 s19, s12  }
0x1f7: {  	[hbm4b:s0+s7] =	stream.linear.scatter [tilespmem:s29], [sflag:$0x3], $0x80, $0x38;
	[tilespmem:$0x13100] =	vst v63  }
0x1f8: {  	[tilespmem:s30+$0xFFFFFFF0] =	vst v0  }
0x1f9: {  	[tilespmem:s30+$0x0] =	vst v0  }
0x1fa: {  	[tilespmem:s30+$0x10] =	vst v0  }
0x1fb: {  	s0 =	simm.s32 $0x11820;
	[tilespmem:s30+$0xFFFFFFE0] =	vst v0  }
0x1fc: {  	[tilespmem:s0+$0xFFFFFFF0] =	vst v0  }
0x1fd: {  	[tilespmem:s0+$0x0] =	vst v0  }
0x1fe: {  	[tilespmem:s0+$0x10] =	vst v0  }
0x1ff: {  	s2 =	simm.s32 $0x12020;
	[tilespmem:s0+$0xFFFFFFE0] =	vst v0  }
0x200: {  	[tilespmem:s2+$0xFFFFFFF0] =	vst v0  }
0x201: {  	[tilespmem:s2+$0x0] =	vst v0  }
0x202: {  	[tilespmem:s2+$0x10] =	vst v0  }
0x203: {  	s9 =	simm.s32 $0x0;
	s1 =	simm.s32 $0x11060;
	[tilespmem:s2+$0xFFFFFFE0] =	vst v0  }
.LBB2_23:
0x204: {  	[tilespmem:s1+$0xFFFFFFF0] =	vst v0;
	s0 =	sadd.s32 $0x40, s0  }
0x205: {  	s2 =	sadd.s32 $0x40, s2;
	[tilespmem:s0+$0xFFFFFFF0] =	vst v0  }
0x206: {  	[tilespmem:s2+$0xFFFFFFF0] =	vst v0  }
0x207: {  	[tilespmem:s1+$0x0] =	vst v0  }
0x208: {  	[tilespmem:s0+$0x0] =	vst v0  }
0x209: {  	s9 =	sadd.s32 $0x4, s9;
	[tilespmem:s2+$0x0] =	vst v0  }
0x20a: {  	p0 =	slt.u32 s9, $0x7C;
	[tilespmem:s1+$0x10] =	vst v0  }
.Ltmp10:
0x20b: {  	[tilespmem:s0+$0x10] =	vst v0;
	(pc) =	sbr.rel @p0 .LBB2_23-.Ltmp10, $4  }
0x20c: {  	[tilespmem:s2+$0x10] =	vst v0  }
0x20d: {  	[tilespmem:s1+$0xFFFFFFE0] =	vst v0  }
0x20e: {  	s10 =	simm.s32 $0x12810;
	[tilespmem:s0+$0xFFFFFFE0] =	vst v0  }
0x20f: {  	s1 =	sadd.s32 $0x40, s1;
	[tilespmem:s2+$0xFFFFFFE0] =	vst v0  }
0x210: {  	s0 =	simm.s32 $0x0;
	[tilespmem:s10+$0xFFFFFFF0] =	vst v0  }
.LBB2_25:
0x211: {  	s0 =	sadd.s32 $0x2, s0  }
0x212: {  	p0 =	slt.u32 s0, $0x6  }
.Ltmp11:
0x213: {  	_ = 	snop;
	(pc) =	sbr.rel @p0 .LBB2_25-.Ltmp11, $3  }
0x214: {  	_ =	sdelay $0x1  }
0x215: {  	[tilespmem:s10+$0x0] =	vst v0;
	s10 =	sadd.s32 $0x20, s10  }
0x216: {  	[tilespmem:s10+$0xFFFFFFF0] =	vst v0  }
0x217: {  	[tilespmem:s10+$0x0] =	vst v0  }
0x218: {  	_ =	swait.ge [sflag:s31], $0x800  }
0x219: {  	[sflag:s31] =	ssyncset.done $0x0  }
0x21a: {  	s0 =	simm.s32 $0x10820;
	[sflag:s31] =	ssyncadd.s32 $0xFFFFF800  }
0x21b: {  	[tilespmem:s0+$0xFFFFFFE0] =	vst v0  }
0x21c: {  	[tilespmem:s0+$0x10] =	vst v0  }
0x21d: {  	s1 =	simm.s32 $0x0;
	[tilespmem:s0+$0x0] =	vst v0  }
.LBB2_27:
0x21e: {  	s1 =	sadd.s32 $0x4, s1  }
0x21f: {  	[tilespmem:s0+$0xFFFFFFF0] =	vst v0;
	s0 =	sadd.s32 $0x40, s0;
	p0 =	slt.u32 s1, $0x7C  }
.Ltmp12:
0x220: {  	[tilespmem:s0+$0xFFFFFFE0] =	vst v0;
	(pc) =	sbr.rel @p0 .LBB2_27-.Ltmp12, $3  }
0x221: {  	_ =	sdelay $0x1  }
0x222: {  	[tilespmem:s0+$0x10] =	vst v0  }
0x223: {  	[tilespmem:s0+$0x0] =	vst v0  }
0x224: {  	s3 =	sadd.s32 $0x1, s3  }
0x225: {  	p0 =	sne.s32 s3, $0x10  }
.Ltmp13:
0x226: {  	_ = 	snop;
	(pc) =	sbr.rel @p0 .LBB2_10-.Ltmp13, $2  }
0x227: {  	_ =	sdelay $0x2  }
0x228: {  	[tilespmem:s0+$0xFFFFFFF0] =	vst v0  }
0x229: {  	_ =	swait.ge [sflag:s31], $0x800  }
0x22a: {  	[sflag:s31] =	ssyncset.done $0x0  }
0x22b: {  	[sflag:s31] =	ssyncadd.s32 $0xFFFFF800  }
0x22c: {  	_ =	swait.ge [sflag:s31], $0x80  }
0x22d: {  	s1 =	rddreg [dreg:$0x9]  }
0x22e: {  	s0 =	rddreg [dreg:$0x8];
	s1 =	sadd.s32 $0x1, s1  }
0x22f: {  	p0 =	sne.s32 s1, s0  }
.Ltmp14:
0x230: {  	_ = 	snop;
	(pc) =	sbr.rel @p0 .LBB2_1-.Ltmp14, $3  }
0x231: {  	_ =	sdelay $0x1  }
0x232: {  	[sflag:s31] =	ssyncset.done $0x0  }
0x233: {  	[sflag:s31] =	ssyncadd.s32 $0xFFFFFF80  }
0x234: {  	_ =	sfence.sel $0x180000  }
0x235: {  	[bflag:$0x0] =	sbarrier.arrive $0xFFFF  }
0x236: {  	_ =	strace $0x9000004D  }
0x237: {  	s0 =	stileid.u32;
	[bflag:$0x2] =	sbarrier.arrive $0xFFFF  }
0x238: {  	p0 =	sne.s32 s0, $0x0;
	s0 =	rddreg [dreg:$0x3]  }
0x239: {  	s0 =	sadd.s32 @!p0 $0x100000, s0  }
0x23a: {  	[sflag:s0] =	ssyncadd.tile.s32 @!p0 $0x1;
	_ =	shalt  }
.Lfunc_end2:
_tile_overlayer_lowered:
.L_overlay_start_2:
0x23b: {  	(tag) =	ssettag $0x2  }
0x23c: {  	s0 =	rddreg [dreg:$0x0];
	s2 =	stileid.u32  }
0x23d: {  	s1 =	rddreg [dreg:$0x1];
	p0 =	sne.s32 s2, $0x0  }
0x23e: {  	s3 =	rddreg [dreg:$0x2];
	[bflag:$0x3] =	sbarrier.arrive $0xFFFF;
	s2 =	simm.s32 @!p0 $0x1C04  }
0x23f: {  	[timem:s3], [sflag:s2] =	dma.local @!p0 [hbm:s0], s1  }
0x240: {  	s0 =	simm.s32 @!p0 $0x4  }
0x241: {  	_ =	swait.ge @!p0 [sflag:s0], s1  }
0x242: {  	s1 =	ssub.s32 @!p0 $0x0, s1;
	[sflag:s0] =	ssyncset.done @!p0 $0x0  }
0x243: {  	[sflag:s0] =	ssyncadd.s32 @!p0 s1  }
0x244: {  	[bflag:$0x3] =	sbarrier.arrive $0xFFFF  }
0x245: {  	_ =	shalt  }

// kernel: sparse-core-data-format-call.1.cloned.1.call-start
scs
called_computation.1_lowered:
.L_overlay_start_0:
0x0: {  	s2 =	sld [smem:$0x3FD9]  }
0x1: {  	s3 =	sld [smem:$0x3FFE];
	_ =	sdelay $0x1  }
0x2: {  	s1 =	srdreg.scid  }
0x3: {  	s0 =	sand.u32 $0x1, s1  }
0x4: {  	s18 =	sshll.u32 s0, $0xA;
	s2 =	sadd.s32 s3, s2  }
0x5: {  	s2 =	sadd.s32 s2, s18  }
0x6: {  	[smem:$0x3FC5] =	sst s2  }
0x7: {  	_ = 	snop  }
0x8: {  	s2 =	sld [smem:$0x3FC9];
	(tm) =	ssettm $0x1  }
0x9: {  	s19 =	sld [smem:$0x3FFB];
	_ =	sdelay $0x3  }
0xa: {  	_ =	strace s19  }
0xb: {  	s3 =	sld [smem:$0x3FFC];
	_ =	sdelay $0x3  }
0xc: {  	_ =	strace s3  }
0xd: {  	s3 =	sld [smem:$0x3FFD];
	_ =	sdelay $0x3  }
0xe: {  	_ =	strace s3  }
0xf: {  	_ =	strace $0x8FFFFFFF  }
0x10: {  	s20 =	sld [smem:$0x3FDB];
	_ =	sdelay $0x1  }
0x11: {  	s4 =	simm.s32 $_scs_section_size  }
0x12: {  	s5 =	simm.s32 $_size__tile_overlayer_lowered;
	s6 =	simm.s32 $_tile_overlayer_lowered  }
0x13: {  	s23 =	simm.s32 $0x1BFF;
	s22 =	sshll.u32 s6, $0x1;
	s3 =	sadd.s32 s4, s20  }
0x14: {  	s7 =	simm.s32 $0x0;
	s21 =	sshll.u32 s5, $0x1;
	s5 =	sadd.s32 s22, s3  }
0x15: {  	[timem:s7], [sflag:s23] =	dma.local [hbm:s5], s21  }
0x16: {  	_ =	swait.ge [sflag:s23], s21  }
0x17: {  	s4 =	ssub.s32 $0x0, s21;
	[sflag:s23] =	ssyncset.done $0x0  }
0x18: {  	[sflag:s23] =	ssyncadd.s32 s4;
	_ =	sdelay $0x1  }
0x19: {  	s24 =	simm.s32 $0x1B8B  }
0x1a: {  	_ =	swait.ge [sflag:s24], $0x1  }
0x1b: {  	[sflag:s24] =	ssyncset.done $0x0  }
0x1c: {  	s26 =	simm.s32 $0x1B8E;
	s25 =	sld [smem:$0x3FFE];
	[sflag:s24] =	ssyncadd.s32 $0xFFFFFFFF  }
0x1d: {  	s27 =	simm.s32 $execute0_lowered;
	[smem:$0x3FD2] =	sst s26  }
0x1e: {  	s5 =	sshll.u32 s27, $0x1;
	_ =	strace $0x80000046;
	[dreg:$0x1] =	wrdreg $0xFFFFFFFF  }
0x1f: {  	s28 =	simm.s32 $_size_execute0_lowered;
	s3 =	sadd.s32 s3, s5;
	[dreg:$0x0] =	wrdreg $0x0  }
0x20: {  	s5 =	sshll.u32 s28, $0x1;
	[dreg:$0x2] =	wrdreg s3  }
0x21: {  	[dreg:$0x3] =	wrdreg s5  }
0x22: {  	[dreg:$0x4] =	wrdreg $0xC0  }
0x23: {  	_ =	task [dreg:s7], $0x5FFFF  }
0x24: {  	[dreg:$0x1] =	wrdreg $0xFFFFFFFF  }
0x25: {  	[dreg:$0x0] =	wrdreg $0x60  }
0x26: {  	[dreg:$0x2] =	wrdreg s2  }
0x27: {  	[dreg:$0x3] =	wrdreg s25  }
0x28: {  	[dreg:$0x4] =	wrdreg $0xA  }
0x29: {  	_ =	task.clear_ibuf [dreg:s7], $0x5FFFF;
	_ =	strace $0x90000046  }
0x2a: {  	s29 =	simm.s32 $0xA;
	_ =	strace $0x80000048  }
0x2b: {  	_ =	swait.ge [sflag:s29], $0x1  }
0x2c: {  	[sflag:s29] =	ssyncadd.s32 $0xFFFFFFFF  }
0x2d: {  	_ =	strace $0x90000048  }
0x2e: {  	_ =	sfence  }
0x2f: {  	s30 =	sld [smem:$0x0];
	_ =	sdelay $0x2  }
0x30: {  	s31 =	sshll.u32 s1, $0xD;
	s1 =	sshrl.u32 s1, $0x2  }
0x31: {  	s3 =	sand.u32 $0x4000, s31;
	s1 =	sadd.s32 s1, s30  }
0x32: {  	s0 =	sor.u32 s3, s0;
	s1 =	sshll.u32 s1, $0x11  }
0x33: {  	s0 =	sor.u32 s1, s0  }
0x34: {  	s0 =	sadd.s32 $0x8F2B, s0  }
0x35: {  	[sflag:s0] =	ssyncadd.remote.s32 $0x1  }
0x36: {  	_ =	sfence.sel $0xFFFF  }
0x37: {  	[dreg:$0x0] =	wrdreg $0xFFFFFFFF;
	(pc) =	sbr.abs _section_cstart, $3  }
0x38: {  	[dreg:$0x1] =	wrdreg $0xFFFFFFFF  }
0x39: {  	_ =	task.clear_ibuf [dreg:s7], $0x2FFFF;
	_ =	strace $0x9FFFFFFF  }
0x3a: {  	(tm) =	ssettm $0x7FFFFFFF  }
0x3b: {  	_ =	shalt  }
tec
execute0_lowered:
.L_overlay_start_1:
0x0: {  	(tag) =	ssettag $0x1  }
0x1: {  	s0 =	srdreg.scid  }
0x2: {  	s1 =	sshll.u32 s0, $0x4  }
0x3: {  	s2 =	rddreg [dreg:$0x0];
	s0 =	stileid.u32;
	s1 =	sand.u32 $0x10, s1  }
0x4: {  	s4 =	rddreg [dreg:$0x1];
	s7 =	simm.s32 $0x1;
	s1 =	sor.u32 s0, s1  }
0x5: {  	s8 =	simm.s32 $0x2;
	s9 =	simm.s32 $0x0;
	s3 =	sshll.u32 s1, $0x2  }
0x6: {  	s12 =	simm.s32 $0x0;
	s11 =	simm.s32 $0x0;
	s6 =	ssub.s32 $0x1000, s3  }
.Ltmp0:
0x7: {  	s4 =	sadd.s32 $0xE00, s4;
	s5 =	sand.u32 $0x7C, s6;
	(pc) =	sbr.rel .LBB1_1-.Ltmp0, $4  }
0x8: {  	s1 =	rddreg [dreg:$0x2];
	_ =	strace $0x80000047;
	p0 =	sne.s32 s5, $0x0  }
0x9: {  	s6 =	sshrl.u32 s6, $0x7;
	s5 =	simm.s32 $0x1;
	s7 =	simm.s32 @!p0 $0x0  }
0xa: {  	s10 =	smov.u32 s3;
	[sflag:s5] =	ssyncpa.u1 $0x0;
	s6 =	sadd.s32 s7, s6  }
0xb: {  	[sflag:s8] =	ssyncpa.u1 $0x0;
	s8 =	simm.s32 $0x0;
	s7 =	sadd.s32 $0x1, s6  }
.LBB1_9:
0xc: {  	s14 =	sadd.s32 $0x80, s10  }
0xd: {  	p1 =	sgt.s32 s14, $0xFFF  }
0xe: {  	s14 =	smov.u32 @p1 s3;
	p1 =	sne.s32 s11, s7  }
.Ltmp1:
0xf: {  	p0 =	slt.u32 s11, $0x2;
	(pc) =	sbr.rel @!p1 .LBB1_10-.Ltmp1, $4  }
0x10: {  	s13 =	simm.s32 @!p0 $0x2  }
0x11: {  	s15 =	sadd.s32 $0x1, s11;
	_ =	swait.ge @!p0 [sflag:s13], $0x4000  }
0x12: {  	s12 =	smov.u32 s10;
	s9 =	sadd.s32 $0x4000, s9;
	[sflag:s13] =	ssyncset.done @!p0 $0x0  }
0x13: {  	s11 =	smov.u32 s15;
	s10 =	smov.u32 s14;
	[sflag:s13] =	ssyncadd.s32 @!p0 $0xFFFFC000  }
.LBB1_1:
0x14: {  	p0 =	sge.u32 s11, s6  }
0x15: {  	s13 =	sxor.u32 @!p0 $0xFFFFFFFF, s11  }
0x16: {  	s31 =	sadd.s32 $0xFFFFFFFF, s11;
	s14 =	sshll.u32 @!p0 s10, $0x9;
	s13 =	sshll.u32 @!p0 s13, $0xE  }
0x17: {  	s15 =	simm.s32 @!p0 $0x0;
	s14 =	sadd.s32 @!p0 s2, s14;
	s13 =	sand.u32 @!p0 $0x4000, s13  }
0x18: {  	[tilespmem:s13], [sflag:$0x1] =	stream.linear.gather @!p0 [hbm4b:s14+s15], $0x4000, $0x38;
	[tilespmem:$0x10000] =	vst v63  }
0x19: {  	p0 =	sge.u32 s31, s6  }
.Ltmp2:
0x1a: {  	_ = 	snop;
	(pc) =	sbr.rel @p0 .LBB1_9-.Ltmp2, $1  }
0x1b: {  	_ =	sdelay $0x3  }
0x1c: {  	s14 =	sand.u32 $0x4000, s9  }
0x1d: {  	_ =	swait.ge [sflag:s5], $0x4000;
	s15 =	sshll.u32 s11, $0xE;
	s16 =	simm.s32 $0x0  }
0x1e: {  	s13 =	sor.u32 $0x40, s14;
	[sflag:s5] =	ssyncset.done $0x0;
	s15 =	sand.u32 $0x4000, s15  }
0x1f: {  	s14 =	sor.u32 $0x8040, s14;
	[sflag:s5] =	ssyncadd.s32 $0xFFFFC000;
	s15 =	sor.u32 $0x8000, s15  }
.LBB1_3:
0x20: {  	s17 =	smov.u32 s14;
	s18 =	smov.u32 s13;
	s19 =	simm.s32 $0x0  }
.LBB1_4:
0x21: {  	v0 =	vmov s17;
	v2 =	vld [tilespmem:s18+$0x30]  }
0x22: {  	v4 =	vld [tilespmem:s18+$0xFFFFFFD0]  }
0x23: {  	v6 =	vld [tilespmem:s18+$0xFFFFFFE0]  }
0x24: {  	v7 =	vld [tilespmem:s18+$0xFFFFFFF0]  }
0x25: {  	s20 =	simm.s32 $0x0;
	v1 =	vld [tilespmem:s18+$0x0]  }
0x26: {  	v3 =	vld [tilespmem:s18+$0x10];
	[tilespmem:v0+s20+$0x30 ss:$0x1] =	vst.idx.msk $0xffff, v2  }
0x27: {  	v5 =	vld [tilespmem:s18+$0x20];
	[tilespmem:v0+s20+$0xFFFFFFD0 ss:$0x1] =	vst.idx.msk $0xffff, v4  }
0x28: {  	s21 =	sadd.s32 $0x80, s18;
	v2 =	vld [tilespmem:s18+$0xFFFFFFC0];
	[tilespmem:v0+s20+$0xFFFFFFE0 ss:$0x1] =	vst.idx.msk $0xffff, v6  }
0x29: {  	s22 =	simm.s32 $0x800;
	s23 =	simm.s32 $0x1000;
	v4 =	vld [tilespmem:s21+$0x30];
	[tilespmem:v0+s20+$0xFFFFFFF0 ss:$0x1] =	vst.idx.msk $0xffff, v7  }
.LBB1_5:
0x2a: {  	p0 =	sne.s32 s23, $0x3800;
	v6 =	vld [tilespmem:s21+$0xFFFFFFD0];
	[tilespmem:v0+s20+$0x0 ss:$0x1] =	vst.idx.msk $0xffff, v1  }
0x2b: {  	v7 =	vld [tilespmem:s21+$0xFFFFFFE0];
	[tilespmem:v0+s20+$0x10 ss:$0x1] =	vst.idx.msk $0xffff, v3  }
0x2c: {  	v8 =	vld [tilespmem:s21+$0xFFFFFFF0];
	[tilespmem:v0+s20+$0x20 ss:$0x1] =	vst.idx.msk $0xffff, v5  }
.Ltmp3:
0x2d: {  	v1 =	vld [tilespmem:s21+$0x0];
	[tilespmem:v0+s20+$0xFFFFFFC0 ss:$0x1] =	vst.idx.msk $0xffff, v2;
	s20 =	sshra.s32 s22, $0x2;
	s22 =	smov.u32 s23;
	(pc) =	sbr.rel @p0 .LBB1_5-.Ltmp3, $4  }
0x2e: {  	v3 =	vld [tilespmem:s21+$0x10];
	[tilespmem:v0+s20+$0x30 ss:$0x1] =	vst.idx.msk $0xffff, v4  }
0x2f: {  	[tilespmem:v0+s20+$0xFFFFFFD0 ss:$0x1] =	vst.idx.msk $0xffff, v6;
	v5 =	vld [tilespmem:s21+$0x20]  }
0x30: {  	v2 =	vld [tilespmem:s21+$0xFFFFFFC0];
	[tilespmem:v0+s20+$0xFFFFFFE0 ss:$0x1] =	vst.idx.msk $0xffff, v7;
	s21 =	sadd.s32 $0x80, s21  }
0x31: {  	s23 =	sadd.s32 $0x800, s23;
	v4 =	vld [tilespmem:s21+$0x30];
	[tilespmem:v0+s20+$0xFFFFFFF0 ss:$0x1] =	vst.idx.msk $0xffff, v8  }
0x32: {  	_ =	sdelay $0x3  }
0x33: {  	v6 =	vld [tilespmem:s21+$0xFFFFFFD0];
	[tilespmem:v0+s20+$0x0 ss:$0x1] =	vst.idx.msk $0xffff, v1  }
0x34: {  	v58 =	vld [tilespmem:s21+$0xFFFFFFE0];
	[tilespmem:v0+s20+$0x10 ss:$0x1] =	vst.idx.msk $0xffff, v3  }
0x35: {  	v59 =	vld [tilespmem:s21+$0xFFFFFFF0];
	[tilespmem:v0+s20+$0x20 ss:$0x1] =	vst.idx.msk $0xffff, v5  }
0x36: {  	s22 =	sshra.s32 s22, $0x2;
	v60 =	vld [tilespmem:s21+$0x0];
	[tilespmem:v0+s20+$0xFFFFFFC0 ss:$0x1] =	vst.idx.msk $0xffff, v2  }
0x37: {  	v61 =	vld [tilespmem:s21+$0x10];
	[tilespmem:v0+s22+$0x30 ss:$0x1] =	vst.idx.msk $0xffff, v4  }
0x38: {  	v62 =	vld [tilespmem:s21+$0x20];
	s19 =	sadd.s32 $0x1, s19;
	[tilespmem:v0+s22+$0xFFFFFFD0 ss:$0x1] =	vst.idx.msk $0xffff, v6  }
0x39: {  	v63 =	vld [tilespmem:s21+$0xFFFFFFC0];
	p0 =	sne.s32 s19, $0x4;
	[tilespmem:v0+s22+$0xFFFFFFE0 ss:$0x1] =	vst.idx.msk $0xffff, v58  }
.Ltmp4:
0x3a: {  	[tilespmem:v0+s22+$0xFFFFFFF0 ss:$0x1] =	vst.idx.msk $0xffff, v59;
	(pc) =	sbr.rel @p0 .LBB1_4-.Ltmp4, $4  }
0x3b: {  	[tilespmem:v0+s22+$0x0 ss:$0x1] =	vst.idx.msk $0xffff, v60  }
0x3c: {  	[tilespmem:v0+s22+$0x10 ss:$0x1] =	vst.idx.msk $0xffff, v61  }
0x3d: {  	[tilespmem:v0+s22+$0x20 ss:$0x1] =	vst.idx.msk $0xffff, v62  }
0x3e: {  	s18 =	sadd.s32 $0x400, s18;
	s17 =	sadd.s32 $0x80, s17;
	[tilespmem:v0+s22+$0xFFFFFFC0 ss:$0x1] =	vst.idx.msk $0xffff, v63  }
0x3f: {  	s16 =	sadd.s32 $0x1, s16  }
0x40: {  	p0 =	sne.s32 s16, $0x4  }
.Ltmp5:
0x41: {  	_ = 	snop;
	(pc) =	sbr.rel @p0 .LBB1_3-.Ltmp5, $2  }
0x42: {  	_ =	sdelay $0x2  }
0x43: {  	s13 =	sadd.s32 $0x1000, s13;
	s14 =	sadd.s32 $0x1000, s14  }
.Ltmp6:
0x44: {  	(pc) =	sbr.rel .LBB1_9-.Ltmp6, $4  }
0x45: {  	_ = 	snop  }
0x46: {  	s12 =	sshll.u32 s12, $0x9  }
0x47: {  	s12 =	sadd.s32 s4, s12  }
0x48: {  	[hbm4b:s12+s8] =	stream.linear.scatter [tilespmem:s15], [sflag:$0x2], $0x4000, $0x38;
	[tilespmem:$0x10000] =	vst v63  }
.LBB1_10:
0x49: {  	_ =	sfence.sel $0x180000  }
0x4a: {  	s2 =	simm.s32 $0x1;
	[bflag:$0x0] =	sbarrier.arrive $0xFFFF  }
0x4b: {  	s31 =	simm.s32 $0x2;
	[sflag:s2] =	ssyncpa.u1 $0x1  }
0x4c: {  	[sflag:s31] =	ssyncpa.u1 $0x1  }
0x4d: {  	p0 =	sne.s32 s0, $0x0;
	_ =	strace $0x90000047  }
0x4e: {  	s0 =	sadd.s32 @!p0 $0x100000, s1;
	[bflag:$0x2] =	sbarrier.arrive $0xFFFF  }
0x4f: {  	[sflag:s0] =	ssyncadd.tile.s32 @!p0 $0x1;
	_ =	shalt  }
.Lfunc_end1:
_tile_overlayer_lowered:
.L_overlay_start_2:
0x50: {  	(tag) =	ssettag $0x2  }
0x51: {  	s0 =	rddreg [dreg:$0x0];
	s2 =	stileid.u32  }
0x52: {  	s1 =	rddreg [dreg:$0x1];
	p0 =	sne.s32 s2, $0x0  }
0x53: {  	s3 =	rddreg [dreg:$0x2];
	[bflag:$0x3] =	sbarrier.arrive $0xFFFF;
	s2 =	simm.s32 @!p0 $0x1C01  }
0x54: {  	[timem:s3], [sflag:s2] =	dma.local @!p0 [hbm:s0], s1  }
0x55: {  	s0 =	simm.s32 @!p0 $0x1  }
0x56: {  	_ =	swait.ge @!p0 [sflag:s0], s1  }
0x57: {  	s1 =	ssub.s32 @!p0 $0x0, s1;
	[sflag:s0] =	ssyncset.done @!p0 $0x0  }
0x58: {  	[sflag:s0] =	ssyncadd.s32 @!p0 s1  }
0x59: {  	[bflag:$0x3] =	sbarrier.arrive $0xFFFF  }
0x5a: {  	_ =	shalt  }

// kernel: sparse-core-data-format-call.cloned.1.call-start
scs
called_computation_lowered:
.L_overlay_start_0:
0x0: {  	s2 =	sld [smem:$0x3FD9]  }
0x1: {  	s3 =	sld [smem:$0x3FFE];
	_ =	sdelay $0x1  }
0x2: {  	s1 =	srdreg.scid  }
0x3: {  	s0 =	sand.u32 $0x1, s1  }
0x4: {  	s18 =	sshll.u32 s0, $0xA;
	s2 =	sadd.s32 s3, s2  }
0x5: {  	s2 =	sadd.s32 s2, s18  }
0x6: {  	[smem:$0x3FC5] =	sst s2  }
0x7: {  	_ = 	snop  }
0x8: {  	s19 =	sld [smem:$0x3FC8];
	(tm) =	ssettm $0x1  }
0x9: {  	s20 =	sld [smem:$0x3FFB];
	_ =	sdelay $0x3  }
0xa: {  	_ =	strace s20  }
0xb: {  	s2 =	sld [smem:$0x3FFC];
	_ =	sdelay $0x3  }
0xc: {  	_ =	strace s2  }
0xd: {  	s2 =	sld [smem:$0x3FFD];
	_ =	sdelay $0x3  }
0xe: {  	_ =	strace s2  }
0xf: {  	_ =	strace $0x8FFFFFFF  }
0x10: {  	s21 =	sld [smem:$0x3FDB];
	_ =	sdelay $0x1  }
0x11: {  	s4 =	simm.s32 $_scs_section_size  }
0x12: {  	s5 =	simm.s32 $_size__tile_overlayer_lowered;
	s6 =	simm.s32 $_tile_overlayer_lowered  }
0x13: {  	s7 =	simm.s32 $0x1BFF;
	s22 =	sshll.u32 s6, $0x1;
	s4 =	sadd.s32 s4, s21  }
0x14: {  	s23 =	simm.s32 $0x0;
	s5 =	sshll.u32 s5, $0x1;
	s6 =	sadd.s32 s22, s4  }
0x15: {  	[timem:s23], [sflag:s7] =	dma.local [hbm:s6], s5  }
0x16: {  	_ =	swait.ge [sflag:s7], s5  }
0x17: {  	s5 =	ssub.s32 $0x0, s5;
	[sflag:s7] =	ssyncset.done $0x0  }
0x18: {  	[sflag:s7] =	ssyncadd.s32 s5;
	_ =	sdelay $0x1  }
0x19: {  	s24 =	simm.s32 $0x1B8B  }
0x1a: {  	_ =	swait.ge [sflag:s24], $0x1  }
0x1b: {  	[sflag:s24] =	ssyncset.done $0x0  }
0x1c: {  	[sflag:s24] =	ssyncadd.s32 $0xFFFFFFFF  }
0x1d: {  	s5 =	sld [smem:$0x0]  }
0x1e: {  	s6 =	sand.u32 $0xFFFFFFFE, s1  }
0x1f: {  	p0 =	sne.s32 s1, s6  }
0x20: {  	s6 =	sshll.u32 @p0 s6, $0xE  }
0x21: {  	s6 =	sadd.s32 @p0 $0x11B8D, s6;
	s7 =	sshll.u32 @p0 s5, $0x11  }
0x22: {  	s6 =	sor.u32 @p0 s7, s6  }
0x23: {  	[sflag:s6] =	ssyncadd.remote.s32 @p0 $0x1;
	_ =	sdelay $0x1  }
0x24: {  	s6 =	simm.s32 @p0 $0x1B8D  }
0x25: {  	_ =	swait.eq @p0 [sflag:s6], $0x1  }
0x26: {  	[sflag:s6] =	ssyncadd.s32 @p0 $0xFFFFFFFF  }
0x27: {  	s7 =	sshll.u32 @!p0 s1, $0xE  }
0x28: {  	s7 =	sor.u32 @!p0 $0x4000, s7;
	s6 =	simm.s32 @!p0 $0x1B8D  }
0x29: {  	s5 =	sshll.u32 @!p0 s5, $0x11;
	s7 =	sadd.s32 @!p0 $0x11B8D, s7;
	_ =	swait.eq @!p0 [sflag:s6], $0x1  }
0x2a: {  	s5 =	sor.u32 @!p0 s5, s7;
	[sflag:s6] =	ssyncadd.s32 @!p0 $0xFFFFFFFF  }
0x2b: {  	s26 =	simm.s32 $0x1B8E;
	s25 =	sld [smem:$0x3FFE];
	[sflag:s5] =	ssyncadd.remote.s32 @!p0 $0x1  }
0x2c: {  	s27 =	simm.s32 $execute0_lowered;
	[smem:$0x3FD2] =	sst s26  }
0x2d: {  	s6 =	sshll.u32 s27, $0x1;
	_ =	strace $0x80000049;
	[dreg:$0x1] =	wrdreg $0xFFFFFFFF  }
0x2e: {  	s28 =	simm.s32 $_size_execute0_lowered;
	s4 =	sadd.s32 s4, s6;
	[dreg:$0x0] =	wrdreg $0x0  }
0x2f: {  	s6 =	sshll.u32 s28, $0x1;
	[dreg:$0x2] =	wrdreg s4  }
0x30: {  	[dreg:$0x3] =	wrdreg s6  }
0x31: {  	[dreg:$0x4] =	wrdreg $0xC0  }
0x32: {  	_ =	task [dreg:s23], $0x5FFFF  }
0x33: {  	[dreg:$0x1] =	wrdreg $0xFFFFFFFF  }
0x34: {  	[dreg:$0x0] =	wrdreg $0x60  }
0x35: {  	[dreg:$0x2] =	wrdreg s19  }
0x36: {  	[dreg:$0x3] =	wrdreg s25  }
0x37: {  	[dreg:$0x4] =	wrdreg $0x9  }
0x38: {  	_ =	task.clear_ibuf [dreg:s23], $0x5FFFF;
	_ =	strace $0x90000049  }
0x39: {  	s29 =	simm.s32 $0x9;
	_ =	strace $0x8000004B  }
0x3a: {  	_ =	swait.ge [sflag:s29], $0x1  }
0x3b: {  	[sflag:s29] =	ssyncadd.s32 $0xFFFFFFFF  }
0x3c: {  	_ =	strace $0x9000004B  }
0x3d: {  	_ =	sfence  }
0x3e: {  	s30 =	sld [smem:$0x0];
	_ =	sdelay $0x2  }
0x3f: {  	s31 =	sshll.u32 s1, $0xD;
	s1 =	sshrl.u32 s1, $0x2  }
0x40: {  	s4 =	sand.u32 $0x4000, s31;
	s1 =	sadd.s32 s1, s30  }
0x41: {  	s0 =	sor.u32 s4, s0;
	s1 =	sshll.u32 s1, $0x11  }
0x42: {  	s0 =	sor.u32 s1, s0  }
0x43: {  	s0 =	sadd.s32 $0x8F2B, s0  }
0x44: {  	[sflag:s0] =	ssyncadd.remote.s32 $0x1  }
0x45: {  	_ =	sfence.sel $0xFFFF  }
0x46: {  	[dreg:$0x0] =	wrdreg $0xFFFFFFFF;
	(pc) =	sbr.abs _section_cstart, $3  }
0x47: {  	[dreg:$0x1] =	wrdreg $0xFFFFFFFF  }
0x48: {  	_ =	task.clear_ibuf [dreg:s23], $0x2FFFF;
	_ =	strace $0x9FFFFFFF  }
0x49: {  	(tm) =	ssettm $0x7FFFFFFF  }
tec
execute0_lowered:
.L_overlay_start_1:
0x0: {  	(tag) =	ssettag $0x1  }
0x1: {  	s0 =	srdreg.scid  }
0x2: {  	s1 =	sshll.u32 s0, $0x4  }
0x3: {  	s2 =	rddreg [dreg:$0x0];
	s0 =	stileid.u32;
	s1 =	sand.u32 $0x10, s1  }
0x4: {  	s4 =	rddreg [dreg:$0x1];
	s7 =	simm.s32 $0x1;
	s1 =	sor.u32 s0, s1  }
0x5: {  	s8 =	simm.s32 $0x2;
	s9 =	simm.s32 $0x0;
	s3 =	sshll.u32 s1, $0x2  }
0x6: {  	s12 =	simm.s32 $0x0;
	s11 =	simm.s32 $0x0;
	s6 =	ssub.s32 $0x1000, s3  }
.Ltmp0:
0x7: {  	s4 =	sadd.s32 $0x200E00, s4;
	s5 =	sand.u32 $0x7C, s6;
	(pc) =	sbr.rel .LBB1_1-.Ltmp0, $4  }
0x8: {  	s1 =	rddreg [dreg:$0x2];
	_ =	strace $0x8000004A;
	p0 =	sne.s32 s5, $0x0  }
0x9: {  	s6 =	sshrl.u32 s6, $0x7;
	s5 =	simm.s32 $0x1;
	s7 =	simm.s32 @!p0 $0x0  }
0xa: {  	s10 =	smov.u32 s3;
	[sflag:s5] =	ssyncpa.u1 $0x0;
	s6 =	sadd.s32 s7, s6  }
0xb: {  	[sflag:s8] =	ssyncpa.u1 $0x0;
	s8 =	simm.s32 $0x0;
	s7 =	sadd.s32 $0x1, s6  }
.LBB1_9:
0xc: {  	s14 =	sadd.s32 $0x80, s10  }
0xd: {  	p1 =	sgt.s32 s14, $0xFFF  }
0xe: {  	s14 =	smov.u32 @p1 s3;
	p1 =	sne.s32 s11, s7  }
.Ltmp1:
0xf: {  	p0 =	slt.u32 s11, $0x2;
	(pc) =	sbr.rel @!p1 .LBB1_10-.Ltmp1, $4  }
0x10: {  	s13 =	simm.s32 @!p0 $0x2  }
0x11: {  	s15 =	sadd.s32 $0x1, s11;
	_ =	swait.ge @!p0 [sflag:s13], $0x4000  }
0x12: {  	s12 =	smov.u32 s10;
	s9 =	sadd.s32 $0x4000, s9;
	[sflag:s13] =	ssyncset.done @!p0 $0x0  }
0x13: {  	s11 =	smov.u32 s15;
	s10 =	smov.u32 s14;
	[sflag:s13] =	ssyncadd.s32 @!p0 $0xFFFFC000  }
.LBB1_1:
0x14: {  	p0 =	sge.u32 s11, s6  }
0x15: {  	s13 =	sxor.u32 @!p0 $0xFFFFFFFF, s11  }
0x16: {  	s31 =	sadd.s32 $0xFFFFFFFF, s11;
	s14 =	sshll.u32 @!p0 s10, $0x9;
	s13 =	sshll.u32 @!p0 s13, $0xE  }
0x17: {  	s15 =	simm.s32 @!p0 $0x0;
	s14 =	sadd.s32 @!p0 s2, s14;
	s13 =	sand.u32 @!p0 $0x4000, s13  }
0x18: {  	[tilespmem:s13], [sflag:$0x1] =	stream.linear.gather @!p0 [hbm4b:s14+s15], $0x4000, $0x38;
	[tilespmem:$0x10000] =	vst v63  }
0x19: {  	p0 =	sge.u32 s31, s6  }
.Ltmp2:
0x1a: {  	_ = 	snop;
	(pc) =	sbr.rel @p0 .LBB1_9-.Ltmp2, $1  }
0x1b: {  	_ =	sdelay $0x3  }
0x1c: {  	s14 =	sand.u32 $0x4000, s9  }
0x1d: {  	_ =	swait.ge [sflag:s5], $0x4000;
	s15 =	sshll.u32 s11, $0xE;
	s16 =	simm.s32 $0x0  }
0x1e: {  	s13 =	sor.u32 $0x40, s14;
	[sflag:s5] =	ssyncset.done $0x0;
	s15 =	sand.u32 $0x4000, s15  }
0x1f: {  	s14 =	sor.u32 $0x8040, s14;
	[sflag:s5] =	ssyncadd.s32 $0xFFFFC000;
	s15 =	sor.u32 $0x8000, s15  }
.LBB1_3:
0x20: {  	s17 =	smov.u32 s14;
	s18 =	smov.u32 s13;
	s19 =	simm.s32 $0x0  }
.LBB1_4:
0x21: {  	v0 =	vmov s17;
	v2 =	vld [tilespmem:s18+$0x30]  }
0x22: {  	v4 =	vld [tilespmem:s18+$0xFFFFFFD0]  }
0x23: {  	v6 =	vld [tilespmem:s18+$0xFFFFFFE0]  }
0x24: {  	v7 =	vld [tilespmem:s18+$0xFFFFFFF0]  }
0x25: {  	s20 =	simm.s32 $0x0;
	v1 =	vld [tilespmem:s18+$0x0]  }
0x26: {  	v3 =	vld [tilespmem:s18+$0x10];
	[tilespmem:v0+s20+$0x30 ss:$0x1] =	vst.idx.msk $0xffff, v2  }
0x27: {  	v5 =	vld [tilespmem:s18+$0x20];
	[tilespmem:v0+s20+$0xFFFFFFD0 ss:$0x1] =	vst.idx.msk $0xffff, v4  }
0x28: {  	s21 =	sadd.s32 $0x80, s18;
	v2 =	vld [tilespmem:s18+$0xFFFFFFC0];
	[tilespmem:v0+s20+$0xFFFFFFE0 ss:$0x1] =	vst.idx.msk $0xffff, v6  }
0x29: {  	s22 =	simm.s32 $0x800;
	s23 =	simm.s32 $0x1000;
	v4 =	vld [tilespmem:s21+$0x30];
	[tilespmem:v0+s20+$0xFFFFFFF0 ss:$0x1] =	vst.idx.msk $0xffff, v7  }
.LBB1_5:
0x2a: {  	p0 =	sne.s32 s23, $0x3800;
	v6 =	vld [tilespmem:s21+$0xFFFFFFD0];
	[tilespmem:v0+s20+$0x0 ss:$0x1] =	vst.idx.msk $0xffff, v1  }
0x2b: {  	v7 =	vld [tilespmem:s21+$0xFFFFFFE0];
	[tilespmem:v0+s20+$0x10 ss:$0x1] =	vst.idx.msk $0xffff, v3  }
0x2c: {  	v8 =	vld [tilespmem:s21+$0xFFFFFFF0];
	[tilespmem:v0+s20+$0x20 ss:$0x1] =	vst.idx.msk $0xffff, v5  }
.Ltmp3:
0x2d: {  	v1 =	vld [tilespmem:s21+$0x0];
	[tilespmem:v0+s20+$0xFFFFFFC0 ss:$0x1] =	vst.idx.msk $0xffff, v2;
	s20 =	sshra.s32 s22, $0x2;
	s22 =	smov.u32 s23;
	(pc) =	sbr.rel @p0 .LBB1_5-.Ltmp3, $4  }
0x2e: {  	v3 =	vld [tilespmem:s21+$0x10];
	[tilespmem:v0+s20+$0x30 ss:$0x1] =	vst.idx.msk $0xffff, v4  }
0x2f: {  	[tilespmem:v0+s20+$0xFFFFFFD0 ss:$0x1] =	vst.idx.msk $0xffff, v6;
	v5 =	vld [tilespmem:s21+$0x20]  }
0x30: {  	v2 =	vld [tilespmem:s21+$0xFFFFFFC0];
	[tilespmem:v0+s20+$0xFFFFFFE0 ss:$0x1] =	vst.idx.msk $0xffff, v7;
	s21 =	sadd.s32 $0x80, s21  }
0x31: {  	s23 =	sadd.s32 $0x800, s23;
	v4 =	vld [tilespmem:s21+$0x30];
	[tilespmem:v0+s20+$0xFFFFFFF0 ss:$0x1] =	vst.idx.msk $0xffff, v8  }
0x32: {  	_ =	sdelay $0x3  }
0x33: {  	v6 =	vld [tilespmem:s21+$0xFFFFFFD0];
	[tilespmem:v0+s20+$0x0 ss:$0x1] =	vst.idx.msk $0xffff, v1  }
0x34: {  	v58 =	vld [tilespmem:s21+$0xFFFFFFE0];
	[tilespmem:v0+s20+$0x10 ss:$0x1] =	vst.idx.msk $0xffff, v3  }
0x35: {  	v59 =	vld [tilespmem:s21+$0xFFFFFFF0];
	[tilespmem:v0+s20+$0x20 ss:$0x1] =	vst.idx.msk $0xffff, v5  }
0x36: {  	s22 =	sshra.s32 s22, $0x2;
	v60 =	vld [tilespmem:s21+$0x0];
	[tilespmem:v0+s20+$0xFFFFFFC0 ss:$0x1] =	vst.idx.msk $0xffff, v2  }
0x37: {  	v61 =	vld [tilespmem:s21+$0x10];
	[tilespmem:v0+s22+$0x30 ss:$0x1] =	vst.idx.msk $0xffff, v4  }
0x38: {  	v62 =	vld [tilespmem:s21+$0x20];
	s19 =	sadd.s32 $0x1, s19;
	[tilespmem:v0+s22+$0xFFFFFFD0 ss:$0x1] =	vst.idx.msk $0xffff, v6  }
0x39: {  	v63 =	vld [tilespmem:s21+$0xFFFFFFC0];
	p0 =	sne.s32 s19, $0x4;
	[tilespmem:v0+s22+$0xFFFFFFE0 ss:$0x1] =	vst.idx.msk $0xffff, v58  }
.Ltmp4:
0x3a: {  	[tilespmem:v0+s22+$0xFFFFFFF0 ss:$0x1] =	vst.idx.msk $0xffff, v59;
	(pc) =	sbr.rel @p0 .LBB1_4-.Ltmp4, $4  }
0x3b: {  	[tilespmem:v0+s22+$0x0 ss:$0x1] =	vst.idx.msk $0xffff, v60  }
0x3c: {  	[tilespmem:v0+s22+$0x10 ss:$0x1] =	vst.idx.msk $0xffff, v61  }
0x3d: {  	[tilespmem:v0+s22+$0x20 ss:$0x1] =	vst.idx.msk $0xffff, v62  }
0x3e: {  	s18 =	sadd.s32 $0x400, s18;
	s17 =	sadd.s32 $0x80, s17;
	[tilespmem:v0+s22+$0xFFFFFFC0 ss:$0x1] =	vst.idx.msk $0xffff, v63  }
0x3f: {  	s16 =	sadd.s32 $0x1, s16  }
0x40: {  	p0 =	sne.s32 s16, $0x4  }
.Ltmp5:
0x41: {  	_ = 	snop;
	(pc) =	sbr.rel @p0 .LBB1_3-.Ltmp5, $2  }
0x42: {  	_ =	sdelay $0x2  }
0x43: {  	s13 =	sadd.s32 $0x1000, s13;
	s14 =	sadd.s32 $0x1000, s14  }
.Ltmp6:
0x44: {  	(pc) =	sbr.rel .LBB1_9-.Ltmp6, $4  }
0x45: {  	_ = 	snop  }
0x46: {  	s12 =	sshll.u32 s12, $0x9  }
0x47: {  	s12 =	sadd.s32 s4, s12  }
0x48: {  	[hbm4b:s12+s8] =	stream.linear.scatter [tilespmem:s15], [sflag:$0x2], $0x4000, $0x38;
	[tilespmem:$0x10000] =	vst v63  }
.LBB1_10:
0x49: {  	_ =	sfence.sel $0x180000  }
0x4a: {  	s2 =	simm.s32 $0x1;
	[bflag:$0x0] =	sbarrier.arrive $0xFFFF  }
0x4b: {  	s31 =	simm.s32 $0x2;
	[sflag:s2] =	ssyncpa.u1 $0x1  }
0x4c: {  	[sflag:s31] =	ssyncpa.u1 $0x1  }
0x4d: {  	p0 =	sne.s32 s0, $0x0;
	_ =	strace $0x9000004A  }
0x4e: {  	s0 =	sadd.s32 @!p0 $0x100000, s1;
	[bflag:$0x2] =	sbarrier.arrive $0xFFFF  }
0x4f: {  	[sflag:s0] =	ssyncadd.tile.s32 @!p0 $0x1;
	_ =	shalt  }
.Lfunc_end1:
_tile_overlayer_lowered:
.L_overlay_start_2:
0x50: {  	(tag) =	ssettag $0x2  }
0x51: {  	s0 =	rddreg [dreg:$0x0];
	s2 =	stileid.u32  }
0x52: {  	s1 =	rddreg [dreg:$0x1];
	p0 =	sne.s32 s2, $0x0  }
0x53: {  	s3 =	rddreg [dreg:$0x2];
	[bflag:$0x3] =	sbarrier.arrive $0xFFFF;
	s2 =	simm.s32 @!p0 $0x1C01  }
0x54: {  	[timem:s3], [sflag:s2] =	dma.local @!p0 [hbm:s0], s1  }
0x55: {  	s0 =	simm.s32 @!p0 $0x1  }
0x56: {  	_ =	swait.ge @!p0 [sflag:s0], s1  }
0x57: {  	s1 =	ssub.s32 @!p0 $0x0, s1;
	[sflag:s0] =	ssyncset.done @!p0 $0x0  }
0x58: {  	[sflag:s0] =	ssyncadd.s32 @!p0 s1  }
0x59: {  	[bflag:$0x3] =	sbarrier.arrive $0xFFFF  }
0x5a: {  	_ =	shalt  }

</sc_bundles>
